<compile_context>
chip_gen: v7x
topology: tpu7x:2x2x1
jax: 0.10.2.dev20260603
libtpu: 0.0.44.dev20260713+nightly
codegen_flags: <defaults>
</compile_context>

<pallas_src>
import jax
import jax.numpy as jnp
from jax import lax
from jax.experimental import pallas as pl
from jax.experimental.pallas import tpu as pltpu
from jax.experimental.pallas import tpu_sc as plsc

_NC, _NS = 2, 16
_NW = _NC * _NS
_LANE = 16



def _t3_body(t_ref, w_ref, b_ref, o_ref):
    e = jnp.maximum(t_ref[...].T, 0.0)
    h = lax.dot(e, w_ref[...], preferred_element_type=jnp.float32)
    o_ref[...] = jnp.maximum(h + b_ref[...], 0.0)


def _transform_table(table_t, phi_W, phi_b):
    d, n = table_t.shape
    h = phi_W.shape[1]
    rblk = 4096
    return pl.pallas_call(
        _t3_body,
        grid=(pl.cdiv(n, rblk),),
        in_specs=[pl.BlockSpec((d, rblk), lambda i: (0, i)),
                  pl.BlockSpec((d, h), lambda i: (0, 0)),
                  pl.BlockSpec((1, h), lambda i: (0, 0))],
        out_specs=pl.BlockSpec((rblk, h), lambda i: (i, 0)),
        out_shape=jax.ShapeDtypeStruct((n, h), jnp.float32),
    )(table_t, phi_W, phi_b.reshape(1, h))



_NBUF = 6


def _embedding_bag(t3, xcat):
    b, setl = xcat.shape
    n, h = t3.shape
    bpw = b // _NW
    pairs = bpw // 2
    idx2 = xcat.reshape(b // 2, 2 * setl)
    nvec = h // _LANE

    def body(t3_hbm, idx_hbm, out_hbm, idx_v, rows_v, acc_v, sem):
        wid = lax.axis_index("s") * _NC + lax.axis_index("c")
        pltpu.sync_copy(idx_hbm.at[pl.ds(wid * pairs, pairs)], idx_v)
        for k in range(_NBUF - 1):
            pltpu.async_copy(t3_hbm.at[idx_v.at[k]], rows_v.at[k], sem)

        def outer(i4, carry):
            for k in range(2):
                p = i4 * 2 + k
                kb = lax.rem(p, _NBUF)
                pltpu.make_async_copy(
                    t3_hbm.at[idx_v.at[p]], rows_v.at[kb], sem).wait()

                nxt = p + _NBUF - 1

                @pl.when(nxt < pairs)
                def _start_next():
                    pltpu.async_copy(
                        t3_hbm.at[idx_v.at[nxt]],
                        rows_v.at[lax.rem(nxt, _NBUF)], sem)

                for half in range(2):
                    def inner(l2, acc, _kb=kb, _half=half):
                        for u in range(2):
                            acc = tuple(
                                acc[j] + rows_v[_kb,
                                                _half * setl + l2 * 2 + u,
                                                pl.ds(_LANE * j, _LANE)]
                                for j in range(nvec))
                        return acc
                    acc = lax.fori_loop(
                        0, setl // 2, inner,
                        tuple(jnp.zeros((_LANE,), jnp.float32)
                              for _ in range(nvec)))
                    row = p * 2 + half
                    for j in range(nvec):
                        acc_v[row, pl.ds(_LANE * j, _LANE)] = acc[j]
            return carry

        lax.fori_loop(0, pairs // 2, outer, 0)
        pltpu.sync_copy(acc_v, out_hbm.at[pl.ds(wid * bpw, bpw)])

    kern = pl.kernel(
        body,
        out_type=jax.ShapeDtypeStruct((b, h), jnp.float32),
        mesh=plsc.VectorSubcoreMesh(core_axis_name="c", subcore_axis_name="s"),
        scratch_types=[
            pltpu.VMEM((pairs, 2 * setl), jnp.int32),
            pltpu.VMEM((_NBUF, 2 * setl, h), jnp.float32),
            pltpu.VMEM((bpw, h), jnp.float32),
            pltpu.SemaphoreType.DMA,
        ],
    )
    return kern(t3, idx2)



def _head_body(p_ref, rw_ref, rb_ref, fw_ref, fb_ref, o_ref):
    x = lax.dot(p_ref[...], rw_ref[...], preferred_element_type=jnp.float32)
    x = jnp.maximum(x + rb_ref[...], 0.0)
    o_ref[...] = jnp.sum(x * fw_ref[...], axis=1, keepdims=True) + fb_ref[...]


def _head(pooled, rho_W, rho_b, fc_W, fc_b):
    b, h = pooled.shape
    return pl.pallas_call(
        _head_body,
        out_shape=jax.ShapeDtypeStruct((b, 1), jnp.float32),
    )(pooled, rho_W, rho_b.reshape(1, h), fc_W.reshape(1, h),
      fc_b.reshape(1, 1))


def kernel(xcat, embed_table, phi_W, phi_b, rho_W, rho_b, fc_W, fc_b):
    t3 = _transform_table(embed_table.T, phi_W, phi_b)
    pooled = _embedding_bag(t3, xcat.astype(jnp.int32))
    return _head(pooled, rho_W, rho_b, fc_W, fc_b)

# --- scband reference (transcript-rebuilt; emitter-appended) ---
"""Pipeline reference for scband-cat-embed-deep-sets-75977971466563 (READ-ONLY COPY).

The authoritative reference and input builder live on the scoring server;
editing this copy changes nothing except your own understanding.
"""

import jax, jax.numpy as jnp
import numpy as np

NEMBED = 100000
EMBED_DIM = 64
HID_DIM = 128
B = 4096
L = 50

def setup_inputs(seed: int = 0) -> dict:
    key = jax.random.key(seed)
    ks = jax.random.split(key, 8)
    xcat = jax.random.randint(ks[0], (B, L), 0, NEMBED, dtype=jnp.int64 if jax.config.jax_enable_x64 else jnp.int32)
    embed_table = jax.random.normal(ks[1], (NEMBED, EMBED_DIM), dtype=jnp.float32) * 0.02
    phi_W = jax.random.normal(ks[2], (EMBED_DIM, HID_DIM), dtype=jnp.float32) * (1.0 / np.sqrt(EMBED_DIM))
    phi_b = jnp.zeros((HID_DIM,), dtype=jnp.float32)
    rho_W = jax.random.normal(ks[3], (HID_DIM, HID_DIM), dtype=jnp.float32) * (1.0 / np.sqrt(HID_DIM))
    rho_b = jnp.zeros((HID_DIM,), dtype=jnp.float32)
    fc_W = jax.random.normal(ks[4], (HID_DIM, 1), dtype=jnp.float32) * (1.0 / np.sqrt(HID_DIM))
    fc_b = jnp.zeros((1,), dtype=jnp.float32)
    return {"xcat": xcat, "embed_table": embed_table, "phi_W": phi_W, "phi_b": phi_b,
            "rho_W": rho_W, "rho_b": rho_b, "fc_W": fc_W, "fc_b": fc_b}

def reference(xcat, embed_table, phi_W, phi_b, rho_W, rho_b, fc_W, fc_b):
    # embed = relu(Embedding(xcat))
    e = jax.nn.relu(jnp.take(embed_table, xcat, axis=0))  # [B, L, D]
    # DeepSets: phi per-element MLP, sum-pool over set dim, rho MLP
    h = jax.nn.relu(jnp.einsum('bld,dh->blh', e, phi_W) + phi_b)  # [B, L, H]
    pooled = jnp.sum(h, axis=1)  # [B, H]
    ds_out = jnp.dot(pooled, rho_W) + rho_b  # [B, H]
    set_embed = jax.nn.relu(ds_out)
    out = jnp.dot(set_embed, fc_W) + fc_b  # [B, 1]
    return out

if __name__ == "__main__":
    import jax
    _d = setup_inputs()
    print(jax.jit(kernel)(*tuple(_d.values())))

</pallas_src>

<mosaic_0001>
#map = affine_map<(d0, d1) -> (0, 0)>
module attributes {stable_mosaic.version = 14 : i64} {
  func.func @body(%arg0: i32, %arg1: i32, %arg2: memref<100000x128xf32, #tpu.memory_space<hbm>>, %arg3: memref<2048x100xi32, #tpu.memory_space<hbm>>, %arg4: memref<4096x128xf32, #tpu.memory_space<hbm>>, %arg5: memref<64x100xi32, #tpu.memory_space<vmem>>, %arg6: memref<6x100x128xf32, #tpu.memory_space<vmem>>, %arg7: memref<128x128xf32, #tpu.memory_space<vmem>>, %arg8: memref<!tpu.dma_semaphore, #tpu.memory_space<semaphore_mem>>) attributes {dimension_semantics = [#tpu.dimension_semantics<core_parallel>, #tpu.dimension_semantics<subcore_parallel>], iteration_bounds = array<i64: 2, 16>, scalar_prefetch = 0 : i64, scratch_operands = 4 : i64, tpu.core_type = #tpu.core_type<sc_vector_subcore>, window_params = [{transform_indices = #map}, {transform_indices = #map}, {transform_indices = #map}]} {
    %mul3A = arith.constant 2 : i32
    %mul3A_0 = arith.muli %arg1, %mul3A : i32
    %add3A = arith.addi %mul3A_0, %arg0 : i32
    %mul3A_1 = arith.constant 64 : i32
    %mul3A_2 = arith.muli %add3A, %mul3A_1 : i32
    "tpu.region"() ({
      %run_scoped3A = tpu.sem_alloc : memref<!tpu.dma_semaphore, #tpu.memory_space<semaphore_mem>>
      %dma_start3A_69 = arith.constant 0 : i32
      %dma_start3A_70 = tpu.memref_slice %arg3[%mul3A_2, %dma_start3A_69] : memref<2048x100xi32, #tpu.memory_space<hbm>> -> memref<64x100xi32, #tpu.memory_space<hbm>>
      %dma_start3A_71 = arith.constant 0 : i32
      %dma_start3A_72 = tpu.memref_slice %arg3[%mul3A_2, %dma_start3A_71] : memref<2048x100xi32, #tpu.memory_space<hbm>> -> memref<64x100xi32, #tpu.memory_space<hbm>>
      tpu.enqueue_dma source(%dma_start3A_72 : memref<64x100xi32, #tpu.memory_space<hbm>>) target(%arg5 : memref<64x100xi32, #tpu.memory_space<vmem>>) target_semaphore(%run_scoped3A : memref<!tpu.dma_semaphore, #tpu.memory_space<semaphore_mem>>)
      %dma_wait3A = arith.constant 0 : i32
      %dma_wait3A_73 = tpu.memref_slice %arg3[%mul3A_2, %dma_wait3A] : memref<2048x100xi32, #tpu.memory_space<hbm>> -> memref<64x100xi32, #tpu.memory_space<hbm>>
      %dma_wait3A_74 = arith.constant 0 : i32
      %dma_wait3A_75 = tpu.memref_slice %arg3[%mul3A_2, %dma_wait3A_74] : memref<2048x100xi32, #tpu.memory_space<hbm>> -> memref<64x100xi32, #tpu.memory_space<hbm>>
      tpu.wait_dma2 semaphore(%run_scoped3A : memref<!tpu.dma_semaphore, #tpu.memory_space<semaphore_mem>>) src(%dma_wait3A_75 : memref<64x100xi32, #tpu.memory_space<hbm>>) dst(%arg5 : memref<64x100xi32, #tpu.memory_space<vmem>>)
      tpu.yield
    }) : () -> ()
    %dma_start3A = arith.constant 0 : i32
    %dma_start3A_3 = arith.constant 0 : i32
    %dma_start3A_4 = arith.constant 0 : i32
    %dma_start3A_5 = arith.constant 0 : i32
    %dma_start3A_6 = tpu.memref_slice %arg6[%dma_start3A_3, %dma_start3A_4, %dma_start3A_5] : memref<6x100x128xf32, #tpu.memory_space<vmem>> -> memref<1x100x128xf32, #tpu.memory_space<vmem>>
    %dma_start3A_7 = tpu.memref_squeeze %dma_start3A_6 : memref<1x100x128xf32, #tpu.memory_space<vmem>> -> memref<100x128xf32, #tpu.memory_space<vmem>>
    %dma_start3A_8 = arith.constant 0 : i32
    %dma_start3A_9 = tpu.memref_slice %arg5[%dma_start3A, %dma_start3A_8] : memref<64x100xi32, #tpu.memory_space<vmem>> -> memref<1x100xi32, #tpu.memory_space<vmem>>
    %dma_start3A_10 = tpu.memref_squeeze %dma_start3A_9 : memref<1x100xi32, #tpu.memory_space<vmem>> -> memref<100xi32, #tpu.memory_space<vmem>>
    %dma_start3A_11 = arith.constant 0 : i32
    %dma_start3A_12 = arith.constant 0 : i32
    %dma_start3A_13 = tpu.memref_slice %arg2[%dma_start3A_11, %dma_start3A_12] : memref<100000x128xf32, #tpu.memory_space<hbm>> -> memref<100000x128xf32, #tpu.memory_space<hbm>>
    tpu.enqueue_indirect_dma source(%dma_start3A_13 : memref<100000x128xf32, #tpu.memory_space<hbm>>) target(%dma_start3A_7 : memref<100x128xf32, #tpu.memory_space<vmem>>) offsets(%dma_start3A_10 : memref<100xi32, #tpu.memory_space<vmem>>) semaphore(%arg8 : memref<!tpu.dma_semaphore, #tpu.memory_space<semaphore_mem>>)
    %dma_start3A_14 = arith.constant 1 : i32
    %dma_start3A_15 = arith.constant 1 : i32
    %dma_start3A_16 = arith.constant 0 : i32
    %dma_start3A_17 = arith.constant 0 : i32
    %dma_start3A_18 = tpu.memref_slice %arg6[%dma_start3A_15, %dma_start3A_16, %dma_start3A_17] : memref<6x100x128xf32, #tpu.memory_space<vmem>> -> memref<1x100x128xf32, #tpu.memory_space<vmem>>
    %dma_start3A_19 = tpu.memref_squeeze %dma_start3A_18 : memref<1x100x128xf32, #tpu.memory_space<vmem>> -> memref<100x128xf32, #tpu.memory_space<vmem>>
    %dma_start3A_20 = arith.constant 0 : i32
    %dma_start3A_21 = tpu.memref_slice %arg5[%dma_start3A_14, %dma_start3A_20] : memref<64x100xi32, #tpu.memory_space<vmem>> -> memref<1x100xi32, #tpu.memory_space<vmem>>
    %dma_start3A_22 = tpu.memref_squeeze %dma_start3A_21 : memref<1x100xi32, #tpu.memory_space<vmem>> -> memref<100xi32, #tpu.memory_space<vmem>>
    %dma_start3A_23 = arith.constant 0 : i32
    %dma_start3A_24 = arith.constant 0 : i32
    %dma_start3A_25 = tpu.memref_slice %arg2[%dma_start3A_23, %dma_start3A_24] : memref<100000x128xf32, #tpu.memory_space<hbm>> -> memref<100000x128xf32, #tpu.memory_space<hbm>>
    tpu.enqueue_indirect_dma source(%dma_start3A_25 : memref<100000x128xf32, #tpu.memory_space<hbm>>) target(%dma_start3A_19 : memref<100x128xf32, #tpu.memory_space<vmem>>) offsets(%dma_start3A_22 : memref<100xi32, #tpu.memory_space<vmem>>) semaphore(%arg8 : memref<!tpu.dma_semaphore, #tpu.memory_space<semaphore_mem>>)
    %dma_start3A_26 = arith.constant 2 : i32
    %dma_start3A_27 = arith.constant 2 : i32
    %dma_start3A_28 = arith.constant 0 : i32
    %dma_start3A_29 = arith.constant 0 : i32
    %dma_start3A_30 = tpu.memref_slice %arg6[%dma_start3A_27, %dma_start3A_28, %dma_start3A_29] : memref<6x100x128xf32, #tpu.memory_space<vmem>> -> memref<1x100x128xf32, #tpu.memory_space<vmem>>
    %dma_start3A_31 = tpu.memref_squeeze %dma_start3A_30 : memref<1x100x128xf32, #tpu.memory_space<vmem>> -> memref<100x128xf32, #tpu.memory_space<vmem>>
    %dma_start3A_32 = arith.constant 0 : i32
    %dma_start3A_33 = tpu.memref_slice %arg5[%dma_start3A_26, %dma_start3A_32] : memref<64x100xi32, #tpu.memory_space<vmem>> -> memref<1x100xi32, #tpu.memory_space<vmem>>
    %dma_start3A_34 = tpu.memref_squeeze %dma_start3A_33 : memref<1x100xi32, #tpu.memory_space<vmem>> -> memref<100xi32, #tpu.memory_space<vmem>>
    %dma_start3A_35 = arith.constant 0 : i32
    %dma_start3A_36 = arith.constant 0 : i32
    %dma_start3A_37 = tpu.memref_slice %arg2[%dma_start3A_35, %dma_start3A_36] : memref<100000x128xf32, #tpu.memory_space<hbm>> -> memref<100000x128xf32, #tpu.memory_space<hbm>>
    tpu.enqueue_indirect_dma source(%dma_start3A_37 : memref<100000x128xf32, #tpu.memory_space<hbm>>) target(%dma_start3A_31 : memref<100x128xf32, #tpu.memory_space<vmem>>) offsets(%dma_start3A_34 : memref<100xi32, #tpu.memory_space<vmem>>) semaphore(%arg8 : memref<!tpu.dma_semaphore, #tpu.memory_space<semaphore_mem>>)
    %dma_start3A_38 = arith.constant 3 : i32
    %dma_start3A_39 = arith.constant 3 : i32
    %dma_start3A_40 = arith.constant 0 : i32
    %dma_start3A_41 = arith.constant 0 : i32
    %dma_start3A_42 = tpu.memref_slice %arg6[%dma_start3A_39, %dma_start3A_40, %dma_start3A_41] : memref<6x100x128xf32, #tpu.memory_space<vmem>> -> memref<1x100x128xf32, #tpu.memory_space<vmem>>
    %dma_start3A_43 = tpu.memref_squeeze %dma_start3A_42 : memref<1x100x128xf32, #tpu.memory_space<vmem>> -> memref<100x128xf32, #tpu.memory_space<vmem>>
    %dma_start3A_44 = arith.constant 0 : i32
    %dma_start3A_45 = tpu.memref_slice %arg5[%dma_start3A_38, %dma_start3A_44] : memref<64x100xi32, #tpu.memory_space<vmem>> -> memref<1x100xi32, #tpu.memory_space<vmem>>
    %dma_start3A_46 = tpu.memref_squeeze %dma_start3A_45 : memref<1x100xi32, #tpu.memory_space<vmem>> -> memref<100xi32, #tpu.memory_space<vmem>>
    %dma_start3A_47 = arith.constant 0 : i32
    %dma_start3A_48 = arith.constant 0 : i32
    %dma_start3A_49 = tpu.memref_slice %arg2[%dma_start3A_47, %dma_start3A_48] : memref<100000x128xf32, #tpu.memory_space<hbm>> -> memref<100000x128xf32, #tpu.memory_space<hbm>>
    tpu.enqueue_indirect_dma source(%dma_start3A_49 : memref<100000x128xf32, #tpu.memory_space<hbm>>) target(%dma_start3A_43 : memref<100x128xf32, #tpu.memory_space<vmem>>) offsets(%dma_start3A_46 : memref<100xi32, #tpu.memory_space<vmem>>) semaphore(%arg8 : memref<!tpu.dma_semaphore, #tpu.memory_space<semaphore_mem>>)
    %dma_start3A_50 = arith.constant 4 : i32
    %dma_start3A_51 = arith.constant 4 : i32
    %dma_start3A_52 = arith.constant 0 : i32
    %dma_start3A_53 = arith.constant 0 : i32
    %dma_start3A_54 = tpu.memref_slice %arg6[%dma_start3A_51, %dma_start3A_52, %dma_start3A_53] : memref<6x100x128xf32, #tpu.memory_space<vmem>> -> memref<1x100x128xf32, #tpu.memory_space<vmem>>
    %dma_start3A_55 = tpu.memref_squeeze %dma_start3A_54 : memref<1x100x128xf32, #tpu.memory_space<vmem>> -> memref<100x128xf32, #tpu.memory_space<vmem>>
    %dma_start3A_56 = arith.constant 0 : i32
    %dma_start3A_57 = tpu.memref_slice %arg5[%dma_start3A_50, %dma_start3A_56] : memref<64x100xi32, #tpu.memory_space<vmem>> -> memref<1x100xi32, #tpu.memory_space<vmem>>
    %dma_start3A_58 = tpu.memref_squeeze %dma_start3A_57 : memref<1x100xi32, #tpu.memory_space<vmem>> -> memref<100xi32, #tpu.memory_space<vmem>>
    %dma_start3A_59 = arith.constant 0 : i32
    %dma_start3A_60 = arith.constant 0 : i32
    %dma_start3A_61 = tpu.memref_slice %arg2[%dma_start3A_59, %dma_start3A_60] : memref<100000x128xf32, #tpu.memory_space<hbm>> -> memref<100000x128xf32, #tpu.memory_space<hbm>>
    tpu.enqueue_indirect_dma source(%dma_start3A_61 : memref<100000x128xf32, #tpu.memory_space<hbm>>) target(%dma_start3A_55 : memref<100x128xf32, #tpu.memory_space<vmem>>) offsets(%dma_start3A_58 : memref<100xi32, #tpu.memory_space<vmem>>) semaphore(%arg8 : memref<!tpu.dma_semaphore, #tpu.memory_space<semaphore_mem>>)
    %scan3A = arith.constant 0 : i32
    %scan3A_62 = arith.constant 0 : i32
    %scan3A_63 = arith.constant 32 : i32
    %scan3A_64 = arith.addi %scan3A_62, %scan3A_63 : i32
    %scan3A_65 = arith.constant 1 : i32
    scf.for %scan3A_69 = %scan3A_62 to %scan3A_64 step %scan3A_65  : i32 {
      %mul3A_70 = arith.constant 2 : i32
      %mul3A_71 = arith.muli %scan3A_69, %mul3A_70 : i32
      %add3A_72 = arith.constant 0 : i32
      %add3A_73 = arith.addi %mul3A_71, %add3A_72 : i32
      %rem3A = arith.constant 6 : i32
      %rem3A_74 = arith.remsi %add3A_73, %rem3A : i32
      %dma_wait3A = arith.constant 0 : i32
      %dma_wait3A_75 = arith.constant 0 : i32
      %dma_wait3A_76 = tpu.memref_slice %arg6[%rem3A_74, %dma_wait3A, %dma_wait3A_75] : memref<6x100x128xf32, #tpu.memory_space<vmem>> -> memref<1x100x128xf32, #tpu.memory_space<vmem>>
      %dma_wait3A_77 = tpu.memref_squeeze %dma_wait3A_76 : memref<1x100x128xf32, #tpu.memory_space<vmem>> -> memref<100x128xf32, #tpu.memory_space<vmem>>
      %dma_wait3A_78 = arith.constant 0 : i32
      %dma_wait3A_79 = tpu.memref_slice %arg5[%add3A_73, %dma_wait3A_78] : memref<64x100xi32, #tpu.memory_space<vmem>> -> memref<1x100xi32, #tpu.memory_space<vmem>>
      %dma_wait3A_80 = tpu.memref_squeeze %dma_wait3A_79 : memref<1x100xi32, #tpu.memory_space<vmem>> -> memref<100xi32, #tpu.memory_space<vmem>>
      %dma_wait3A_81 = arith.constant 0 : i32
      %dma_wait3A_82 = arith.constant 0 : i32
      %dma_wait3A_83 = tpu.memref_slice %arg2[%dma_wait3A_81, %dma_wait3A_82] : memref<100000x128xf32, #tpu.memory_space<hbm>> -> memref<100000x128xf32, #tpu.memory_space<hbm>>
      tpu.wait_indirect_dma semaphore(%arg8 : memref<!tpu.dma_semaphore, #tpu.memory_space<semaphore_mem>>) src(%dma_wait3A_83 : memref<100000x128xf32, #tpu.memory_space<hbm>>) dst(%dma_wait3A_77 : memref<100x128xf32, #tpu.memory_space<vmem>>)
      %add3A_84 = arith.constant 6 : i32
      %add3A_85 = arith.addi %add3A_73, %add3A_84 : i32
      %sub3A = arith.constant 1 : i32
      %sub3A_86 = arith.subi %add3A_85, %sub3A : i32
      %lt3A = arith.constant 64 : i32
      %lt3A_87 = arith.cmpi slt, %sub3A_86, %lt3A : i32
      %convert_element_type3A = arith.extui %lt3A_87 : i1 to i32
      %cond3A = arith.constant 0 : i32
      %cond3A_88 = arith.cmpi ne, %convert_element_type3A, %cond3A : i32
      scf.if %cond3A_88 {
        %rem3A_376 = arith.constant 6 : i32
        %rem3A_377 = arith.remsi %sub3A_86, %rem3A_376 : i32
        %dma_start3A_378 = arith.constant 0 : i32
        %dma_start3A_379 = arith.constant 0 : i32
        %dma_start3A_380 = tpu.memref_slice %arg6[%rem3A_377, %dma_start3A_378, %dma_start3A_379] : memref<6x100x128xf32, #tpu.memory_space<vmem>> -> memref<1x100x128xf32, #tpu.memory_space<vmem>>
        %dma_start3A_381 = tpu.memref_squeeze %dma_start3A_380 : memref<1x100x128xf32, #tpu.memory_space<vmem>> -> memref<100x128xf32, #tpu.memory_space<vmem>>
        %dma_start3A_382 = arith.constant 0 : i32
        %dma_start3A_383 = tpu.memref_slice %arg5[%sub3A_86, %dma_start3A_382] : memref<64x100xi32, #tpu.memory_space<vmem>> -> memref<1x100xi32, #tpu.memory_space<vmem>>
        %dma_start3A_384 = tpu.memref_squeeze %dma_start3A_383 : memref<1x100xi32, #tpu.memory_space<vmem>> -> memref<100xi32, #tpu.memory_space<vmem>>
        %dma_start3A_385 = arith.constant 0 : i32
        %dma_start3A_386 = arith.constant 0 : i32
        %dma_start3A_387 = tpu.memref_slice %arg2[%dma_start3A_385, %dma_start3A_386] : memref<100000x128xf32, #tpu.memory_space<hbm>> -> memref<100000x128xf32, #tpu.memory_space<hbm>>
        tpu.enqueue_indirect_dma source(%dma_start3A_387 : memref<100000x128xf32, #tpu.memory_space<hbm>>) target(%dma_start3A_381 : memref<100x128xf32, #tpu.memory_space<vmem>>) offsets(%dma_start3A_384 : memref<100xi32, #tpu.memory_space<vmem>>) semaphore(%arg8 : memref<!tpu.dma_semaphore, #tpu.memory_space<semaphore_mem>>)
      } else {
      }
      %broadcast_in_dim3A = arith.constant 0.000000e+00 : f32
      %broadcast_in_dim3A_89 = vector.broadcast %broadcast_in_dim3A : f32 to vector<16xf32>
      %broadcast_in_dim3A_90 = arith.constant 0.000000e+00 : f32
      %broadcast_in_dim3A_91 = vector.broadcast %broadcast_in_dim3A_90 : f32 to vector<16xf32>
      %broadcast_in_dim3A_92 = arith.constant 0.000000e+00 : f32
      %broadcast_in_dim3A_93 = vector.broadcast %broadcast_in_dim3A_92 : f32 to vector<16xf32>
      %broadcast_in_dim3A_94 = arith.constant 0.000000e+00 : f32
      %broadcast_in_dim3A_95 = vector.broadcast %broadcast_in_dim3A_94 : f32 to vector<16xf32>
      %broadcast_in_dim3A_96 = arith.constant 0.000000e+00 : f32
      %broadcast_in_dim3A_97 = vector.broadcast %broadcast_in_dim3A_96 : f32 to vector<16xf32>
      %broadcast_in_dim3A_98 = arith.constant 0.000000e+00 : f32
      %broadcast_in_dim3A_99 = vector.broadcast %broadcast_in_dim3A_98 : f32 to vector<16xf32>
      %broadcast_in_dim3A_100 = arith.constant 0.000000e+00 : f32
      %broadcast_in_dim3A_101 = vector.broadcast %broadcast_in_dim3A_100 : f32 to vector<16xf32>
      %broadcast_in_dim3A_102 = arith.constant 0.000000e+00 : f32
      %broadcast_in_dim3A_103 = vector.broadcast %broadcast_in_dim3A_102 : f32 to vector<16xf32>
      %scan3A_104 = arith.constant 0 : i32
      %scan3A_105 = arith.constant 25 : i32
      %scan3A_106 = arith.addi %scan3A_104, %scan3A_105 : i32
      %scan3A_107 = arith.constant 1 : i32
      %scan3A_108:8 = scf.for %scan3A_376 = %scan3A_104 to %scan3A_106 step %scan3A_107 iter_args(%scan3A_377 = %broadcast_in_dim3A_89, %scan3A_378 = %broadcast_in_dim3A_91, %scan3A_379 = %broadcast_in_dim3A_93, %scan3A_380 = %broadcast_in_dim3A_95, %scan3A_381 = %broadcast_in_dim3A_97, %scan3A_382 = %broadcast_in_dim3A_99, %scan3A_383 = %broadcast_in_dim3A_101, %scan3A_384 = %broadcast_in_dim3A_103) -> (vector<16xf32>, vector<16xf32>, vector<16xf32>, vector<16xf32>, vector<16xf32>, vector<16xf32>, vector<16xf32>, vector<16xf32>)  : i32 {
        %mul3A_385 = arith.constant 2 : i32
        %mul3A_386 = arith.muli %scan3A_376, %mul3A_385 : i32
        %add3A_387 = arith.constant 0 : i32
        %add3A_388 = arith.addi %add3A_387, %mul3A_386 : i32
        %add3A_389 = arith.constant 0 : i32
        %add3A_390 = arith.addi %add3A_388, %add3A_389 : i32
        %get3A = arith.index_cast %rem3A_74 : i32 to index
        %get3A_391 = arith.index_cast %add3A_390 : i32 to index
        %get3A_392 = arith.constant 0 : index
        %get3A_393 = tpu.vector_load %arg6[%get3A, %get3A_391, %get3A_392] {strides = array<i32>} : memref<6x100x128xf32, #tpu.memory_space<vmem>>, vector<1x1x16xf32>,
        %get3A_394 = vector.shape_cast %get3A_393 : vector<1x1x16xf32> to vector<16xf32>
        %add3A_395 = arith.addf %scan3A_377, %get3A_394 : vector<16xf32>
        %mul3A_396 = arith.constant 2 : i32
        %mul3A_397 = arith.muli %scan3A_376, %mul3A_396 : i32
        %add3A_398 = arith.constant 0 : i32
        %add3A_399 = arith.addi %add3A_398, %mul3A_397 : i32
        %add3A_400 = arith.constant 0 : i32
        %add3A_401 = arith.addi %add3A_399, %add3A_400 : i32
        %get3A_402 = arith.index_cast %rem3A_74 : i32 to index
        %get3A_403 = arith.index_cast %add3A_401 : i32 to index
        %get3A_404 = arith.constant 16 : index
        %get3A_405 = tpu.vector_load %arg6[%get3A_402, %get3A_403, %get3A_404] {strides = array<i32>} : memref<6x100x128xf32, #tpu.memory_space<vmem>>, vector<1x1x16xf32>,
        %get3A_406 = vector.shape_cast %get3A_405 : vector<1x1x16xf32> to vector<16xf32>
        %add3A_407 = arith.addf %scan3A_378, %get3A_406 : vector<16xf32>
        %mul3A_408 = arith.constant 2 : i32
        %mul3A_409 = arith.muli %scan3A_376, %mul3A_408 : i32
        %add3A_410 = arith.constant 0 : i32
        %add3A_411 = arith.addi %add3A_410, %mul3A_409 : i32
        %add3A_412 = arith.constant 0 : i32
        %add3A_413 = arith.addi %add3A_411, %add3A_412 : i32
        %get3A_414 = arith.index_cast %rem3A_74 : i32 to index
        %get3A_415 = arith.index_cast %add3A_413 : i32 to index
        %get3A_416 = arith.constant 32 : index
        %get3A_417 = tpu.vector_load %arg6[%get3A_414, %get3A_415, %get3A_416] {strides = array<i32>} : memref<6x100x128xf32, #tpu.memory_space<vmem>>, vector<1x1x16xf32>,
        %get3A_418 = vector.shape_cast %get3A_417 : vector<1x1x16xf32> to vector<16xf32>
        %add3A_419 = arith.addf %scan3A_379, %get3A_418 : vector<16xf32>
        %mul3A_420 = arith.constant 2 : i32
        %mul3A_421 = arith.muli %scan3A_376, %mul3A_420 : i32
        %add3A_422 = arith.constant 0 : i32
        %add3A_423 = arith.addi %add3A_422, %mul3A_421 : i32
        %add3A_424 = arith.constant 0 : i32
        %add3A_425 = arith.addi %add3A_423, %add3A_424 : i32
        %get3A_426 = arith.index_cast %rem3A_74 : i32 to index
        %get3A_427 = arith.index_cast %add3A_425 : i32 to index
        %get3A_428 = arith.constant 48 : index
        %get3A_429 = tpu.vector_load %arg6[%get3A_426, %get3A_427, %get3A_428] {strides = array<i32>} : memref<6x100x128xf32, #tpu.memory_space<vmem>>, vector<1x1x16xf32>,
        %get3A_430 = vector.shape_cast %get3A_429 : vector<1x1x16xf32> to vector<16xf32>
        %add3A_431 = arith.addf %scan3A_380, %get3A_430 : vector<16xf32>
        %mul3A_432 = arith.constant 2 : i32
        %mul3A_433 = arith.muli %scan3A_376, %mul3A_432 : i32
        %add3A_434 = arith.constant 0 : i32
        %add3A_435 = arith.addi %add3A_434, %mul3A_433 : i32
        %add3A_436 = arith.constant 0 : i32
        %add3A_437 = arith.addi %add3A_435, %add3A_436 : i32
        %get3A_438 = arith.index_cast %rem3A_74 : i32 to index
        %get3A_439 = arith.index_cast %add3A_437 : i32 to index
        %get3A_440 = arith.constant 64 : index
        %get3A_441 = tpu.vector_load %arg6[%get3A_438, %get3A_439, %get3A_440] {strides = array<i32>} : memref<6x100x128xf32, #tpu.memory_space<vmem>>, vector<1x1x16xf32>,
        %get3A_442 = vector.shape_cast %get3A_441 : vector<1x1x16xf32> to vector<16xf32>
        %add3A_443 = arith.addf %scan3A_381, %get3A_442 : vector<16xf32>
        %mul3A_444 = arith.constant 2 : i32
        %mul3A_445 = arith.muli %scan3A_376, %mul3A_444 : i32
        %add3A_446 = arith.constant 0 : i32
        %add3A_447 = arith.addi %add3A_446, %mul3A_445 : i32
        %add3A_448 = arith.constant 0 : i32
        %add3A_449 = arith.addi %add3A_447, %add3A_448 : i32
        %get3A_450 = arith.index_cast %rem3A_74 : i32 to index
        %get3A_451 = arith.index_cast %add3A_449 : i32 to index
        %get3A_452 = arith.constant 80 : index
        %get3A_453 = tpu.vector_load %arg6[%get3A_450, %get3A_451, %get3A_452] {strides = array<i32>} : memref<6x100x128xf32, #tpu.memory_space<vmem>>, vector<1x1x16xf32>,
        %get3A_454 = vector.shape_cast %get3A_453 : vector<1x1x16xf32> to vector<16xf32>
        %add3A_455 = arith.addf %scan3A_382, %get3A_454 : vector<16xf32>
        %mul3A_456 = arith.constant 2 : i32
        %mul3A_457 = arith.muli %scan3A_376, %mul3A_456 : i32
        %add3A_458 = arith.constant 0 : i32
        %add3A_459 = arith.addi %add3A_458, %mul3A_457 : i32
        %add3A_460 = arith.constant 0 : i32
        %add3A_461 = arith.addi %add3A_459, %add3A_460 : i32
        %get3A_462 = arith.index_cast %rem3A_74 : i32 to index
        %get3A_463 = arith.index_cast %add3A_461 : i32 to index
        %get3A_464 = arith.constant 96 : index
        %get3A_465 = tpu.vector_load %arg6[%get3A_462, %get3A_463, %get3A_464] {strides = array<i32>} : memref<6x100x128xf32, #tpu.memory_space<vmem>>, vector<1x1x16xf32>,
        %get3A_466 = vector.shape_cast %get3A_465 : vector<1x1x16xf32> to vector<16xf32>
        %add3A_467 = arith.addf %scan3A_383, %get3A_466 : vector<16xf32>
        %mul3A_468 = arith.constant 2 : i32
        %mul3A_469 = arith.muli %scan3A_376, %mul3A_468 : i32
        %add3A_470 = arith.constant 0 : i32
        %add3A_471 = arith.addi %add3A_470, %mul3A_469 : i32
        %add3A_472 = arith.constant 0 : i32
        %add3A_473 = arith.addi %add3A_471, %add3A_472 : i32
        %get3A_474 = arith.index_cast %rem3A_74 : i32 to index
        %get3A_475 = arith.index_cast %add3A_473 : i32 to index
        %get3A_476 = arith.constant 112 : index
        %get3A_477 = tpu.vector_load %arg6[%get3A_474, %get3A_475, %get3A_476] {strides = array<i32>} : memref<6x100x128xf32, #tpu.memory_space<vmem>>, vector<1x1x16xf32>,
        %get3A_478 = vector.shape_cast %get3A_477 : vector<1x1x16xf32> to vector<16xf32>
        %add3A_479 = arith.addf %scan3A_384, %get3A_478 : vector<16xf32>
        %mul3A_480 = arith.constant 2 : i32
        %mul3A_481 = arith.muli %scan3A_376, %mul3A_480 : i32
        %add3A_482 = arith.constant 0 : i32
        %add3A_483 = arith.addi %add3A_482, %mul3A_481 : i32
        %add3A_484 = arith.constant 1 : i32
        %add3A_485 = arith.addi %add3A_483, %add3A_484 : i32
        %get3A_486 = arith.index_cast %rem3A_74 : i32 to index
        %get3A_487 = arith.index_cast %add3A_485 : i32 to index
        %get3A_488 = arith.constant 0 : index
        %get3A_489 = tpu.vector_load %arg6[%get3A_486, %get3A_487, %get3A_488] {strides = array<i32>} : memref<6x100x128xf32, #tpu.memory_space<vmem>>, vector<1x1x16xf32>,
        %get3A_490 = vector.shape_cast %get3A_489 : vector<1x1x16xf32> to vector<16xf32>
        %add3A_491 = arith.addf %add3A_395, %get3A_490 : vector<16xf32>
        %mul3A_492 = arith.constant 2 : i32
        %mul3A_493 = arith.muli %scan3A_376, %mul3A_492 : i32
        %add3A_494 = arith.constant 0 : i32
        %add3A_495 = arith.addi %add3A_494, %mul3A_493 : i32
        %add3A_496 = arith.constant 1 : i32
        %add3A_497 = arith.addi %add3A_495, %add3A_496 : i32
        %get3A_498 = arith.index_cast %rem3A_74 : i32 to index
        %get3A_499 = arith.index_cast %add3A_497 : i32 to index
        %get3A_500 = arith.constant 16 : index
        %get3A_501 = tpu.vector_load %arg6[%get3A_498, %get3A_499, %get3A_500] {strides = array<i32>} : memref<6x100x128xf32, #tpu.memory_space<vmem>>, vector<1x1x16xf32>,
        %get3A_502 = vector.shape_cast %get3A_501 : vector<1x1x16xf32> to vector<16xf32>
        %add3A_503 = arith.addf %add3A_407, %get3A_502 : vector<16xf32>
        %mul3A_504 = arith.constant 2 : i32
        %mul3A_505 = arith.muli %scan3A_376, %mul3A_504 : i32
        %add3A_506 = arith.constant 0 : i32
        %add3A_507 = arith.addi %add3A_506, %mul3A_505 : i32
        %add3A_508 = arith.constant 1 : i32
        %add3A_509 = arith.addi %add3A_507, %add3A_508 : i32
        %get3A_510 = arith.index_cast %rem3A_74 : i32 to index
        %get3A_511 = arith.index_cast %add3A_509 : i32 to index
        %get3A_512 = arith.constant 32 : index
        %get3A_513 = tpu.vector_load %arg6[%get3A_510, %get3A_511, %get3A_512] {strides = array<i32>} : memref<6x100x128xf32, #tpu.memory_space<vmem>>, vector<1x1x16xf32>,
        %get3A_514 = vector.shape_cast %get3A_513 : vector<1x1x16xf32> to vector<16xf32>
        %add3A_515 = arith.addf %add3A_419, %get3A_514 : vector<16xf32>
        %mul3A_516 = arith.constant 2 : i32
        %mul3A_517 = arith.muli %scan3A_376, %mul3A_516 : i32
        %add3A_518 = arith.constant 0 : i32
        %add3A_519 = arith.addi %add3A_518, %mul3A_517 : i32
        %add3A_520 = arith.constant 1 : i32
        %add3A_521 = arith.addi %add3A_519, %add3A_520 : i32
        %get3A_522 = arith.index_cast %rem3A_74 : i32 to index
        %get3A_523 = arith.index_cast %add3A_521 : i32 to index
        %get3A_524 = arith.constant 48 : index
        %get3A_525 = tpu.vector_load %arg6[%get3A_522, %get3A_523, %get3A_524] {strides = array<i32>} : memref<6x100x128xf32, #tpu.memory_space<vmem>>, vector<1x1x16xf32>,
        %get3A_526 = vector.shape_cast %get3A_525 : vector<1x1x16xf32> to vector<16xf32>
        %add3A_527 = arith.addf %add3A_431, %get3A_526 : vector<16xf32>
        %mul3A_528 = arith.constant 2 : i32
        %mul3A_529 = arith.muli %scan3A_376, %mul3A_528 : i32
        %add3A_530 = arith.constant 0 : i32
        %add3A_531 = arith.addi %add3A_530, %mul3A_529 : i32
        %add3A_532 = arith.constant 1 : i32
        %add3A_533 = arith.addi %add3A_531, %add3A_532 : i32
        %get3A_534 = arith.index_cast %rem3A_74 : i32 to index
        %get3A_535 = arith.index_cast %add3A_533 : i32 to index
        %get3A_536 = arith.constant 64 : index
        %get3A_537 = tpu.vector_load %arg6[%get3A_534, %get3A_535, %get3A_536] {strides = array<i32>} : memref<6x100x128xf32, #tpu.memory_space<vmem>>, vector<1x1x16xf32>,
        %get3A_538 = vector.shape_cast %get3A_537 : vector<1x1x16xf32> to vector<16xf32>
        %add3A_539 = arith.addf %add3A_443, %get3A_538 : vector<16xf32>
        %mul3A_540 = arith.constant 2 : i32
        %mul3A_541 = arith.muli %scan3A_376, %mul3A_540 : i32
        %add3A_542 = arith.constant 0 : i32
        %add3A_543 = arith.addi %add3A_542, %mul3A_541 : i32
        %add3A_544 = arith.constant 1 : i32
        %add3A_545 = arith.addi %add3A_543, %add3A_544 : i32
        %get3A_546 = arith.index_cast %rem3A_74 : i32 to index
        %get3A_547 = arith.index_cast %add3A_545 : i32 to index
        %get3A_548 = arith.constant 80 : index
        %get3A_549 = tpu.vector_load %arg6[%get3A_546, %get3A_547, %get3A_548] {strides = array<i32>} : memref<6x100x128xf32, #tpu.memory_space<vmem>>, vector<1x1x16xf32>,
        %get3A_550 = vector.shape_cast %get3A_549 : vector<1x1x16xf32> to vector<16xf32>
        %add3A_551 = arith.addf %add3A_455, %get3A_550 : vector<16xf32>
        %mul3A_552 = arith.constant 2 : i32
        %mul3A_553 = arith.muli %scan3A_376, %mul3A_552 : i32
        %add3A_554 = arith.constant 0 : i32
        %add3A_555 = arith.addi %add3A_554, %mul3A_553 : i32
        %add3A_556 = arith.constant 1 : i32
        %add3A_557 = arith.addi %add3A_555, %add3A_556 : i32
        %get3A_558 = arith.index_cast %rem3A_74 : i32 to index
        %get3A_559 = arith.index_cast %add3A_557 : i32 to index
        %get3A_560 = arith.constant 96 : index
        %get3A_561 = tpu.vector_load %arg6[%get3A_558, %get3A_559, %get3A_560] {strides = array<i32>} : memref<6x100x128xf32, #tpu.memory_space<vmem>>, vector<1x1x16xf32>,
        %get3A_562 = vector.shape_cast %get3A_561 : vector<1x1x16xf32> to vector<16xf32>
        %add3A_563 = arith.addf %add3A_467, %get3A_562 : vector<16xf32>
        %mul3A_564 = arith.constant 2 : i32
        %mul3A_565 = arith.muli %scan3A_376, %mul3A_564 : i32
        %add3A_566 = arith.constant 0 : i32
        %add3A_567 = arith.addi %add3A_566, %mul3A_565 : i32
        %add3A_568 = arith.constant 1 : i32
        %add3A_569 = arith.addi %add3A_567, %add3A_568 : i32
        %get3A_570 = arith.index_cast %rem3A_74 : i32 to index
        %get3A_571 = arith.index_cast %add3A_569 : i32 to index
        %get3A_572 = arith.constant 112 : index
        %get3A_573 = tpu.vector_load %arg6[%get3A_570, %get3A_571, %get3A_572] {strides = array<i32>} : memref<6x100x128xf32, #tpu.memory_space<vmem>>, vector<1x1x16xf32>,
        %get3A_574 = vector.shape_cast %get3A_573 : vector<1x1x16xf32> to vector<16xf32>
        %add3A_575 = arith.addf %add3A_479, %get3A_574 : vector<16xf32>
        scf.yield %add3A_491, %add3A_503, %add3A_515, %add3A_527, %add3A_539, %add3A_551, %add3A_563, %add3A_575 : vector<16xf32>, vector<16xf32>, vector<16xf32>, vector<16xf32>, vector<16xf32>, vector<16xf32>, vector<16xf32>, vector<16xf32>
      }
      %scan3A_109 = arith.constant 25 : i32
      %mul3A_110 = arith.constant 2 : i32
      %mul3A_111 = arith.muli %add3A_73, %mul3A_110 : i32
      %add3A_112 = arith.constant 0 : i32
      %add3A_113 = arith.addi %mul3A_111, %add3A_112 : i32
      %swap3A = arith.index_cast %add3A_113 : i32 to index
      %swap3A_114 = arith.constant 0 : index
      %swap3A_115 = tpu.vector_load %arg7[%swap3A, %swap3A_114] {strides = array<i32>} : memref<128x128xf32, #tpu.memory_space<vmem>>, vector<1x16xf32>,
      %swap3A_116 = vector.shape_cast %swap3A_115 : vector<1x16xf32> to vector<16xf32>
      %swap3A_117 = vector.shape_cast %scan3A_108#0 : vector<16xf32> to vector<1x16xf32>
      tpu.vector_store %arg7[%swap3A, %swap3A_114], %swap3A_117 {strides = array<i32>} : memref<128x128xf32, #tpu.memory_space<vmem>>, vector<1x16xf32>,
      %swap3A_118 = arith.index_cast %add3A_113 : i32 to index
      %swap3A_119 = arith.constant 16 : index
      %swap3A_120 = tpu.vector_load %arg7[%swap3A_118, %swap3A_119] {strides = array<i32>} : memref<128x128xf32, #tpu.memory_space<vmem>>, vector<1x16xf32>,
      %swap3A_121 = vector.shape_cast %swap3A_120 : vector<1x16xf32> to vector<16xf32>
      %swap3A_122 = vector.shape_cast %scan3A_108#1 : vector<16xf32> to vector<1x16xf32>
      tpu.vector_store %arg7[%swap3A_118, %swap3A_119], %swap3A_122 {strides = array<i32>} : memref<128x128xf32, #tpu.memory_space<vmem>>, vector<1x16xf32>,
      %swap3A_123 = arith.index_cast %add3A_113 : i32 to index
      %swap3A_124 = arith.constant 32 : index
      %swap3A_125 = tpu.vector_load %arg7[%swap3A_123, %swap3A_124] {strides = array<i32>} : memref<128x128xf32, #tpu.memory_space<vmem>>, vector<1x16xf32>,
      %swap3A_126 = vector.shape_cast %swap3A_125 : vector<1x16xf32> to vector<16xf32>
      %swap3A_127 = vector.shape_cast %scan3A_108#2 : vector<16xf32> to vector<1x16xf32>
      tpu.vector_store %arg7[%swap3A_123, %swap3A_124], %swap3A_127 {strides = array<i32>} : memref<128x128xf32, #tpu.memory_space<vmem>>, vector<1x16xf32>,
      %swap3A_128 = arith.index_cast %add3A_113 : i32 to index
      %swap3A_129 = arith.constant 48 : index
      %swap3A_130 = tpu.vector_load %arg7[%swap3A_128, %swap3A_129] {strides = array<i32>} : memref<128x128xf32, #tpu.memory_space<vmem>>, vector<1x16xf32>,
      %swap3A_131 = vector.shape_cast %swap3A_130 : vector<1x16xf32> to vector<16xf32>
      %swap3A_132 = vector.shape_cast %scan3A_108#3 : vector<16xf32> to vector<1x16xf32>
      tpu.vector_store %arg7[%swap3A_128, %swap3A_129], %swap3A_132 {strides = array<i32>} : memref<128x128xf32, #tpu.memory_space<vmem>>, vector<1x16xf32>,
      %swap3A_133 = arith.index_cast %add3A_113 : i32 to index
      %swap3A_134 = arith.constant 64 : index
      %swap3A_135 = tpu.vector_load %arg7[%swap3A_133, %swap3A_134] {strides = array<i32>} : memref<128x128xf32, #tpu.memory_space<vmem>>, vector<1x16xf32>,
      %swap3A_136 = vector.shape_cast %swap3A_135 : vector<1x16xf32> to vector<16xf32>
      %swap3A_137 = vector.shape_cast %scan3A_108#4 : vector<16xf32> to vector<1x16xf32>
      tpu.vector_store %arg7[%swap3A_133, %swap3A_134], %swap3A_137 {strides = array<i32>} : memref<128x128xf32, #tpu.memory_space<vmem>>, vector<1x16xf32>,
      %swap3A_138 = arith.index_cast %add3A_113 : i32 to index
      %swap3A_139 = arith.constant 80 : index
      %swap3A_140 = tpu.vector_load %arg7[%swap3A_138, %swap3A_139] {strides = array<i32>} : memref<128x128xf32, #tpu.memory_space<vmem>>, vector<1x16xf32>,
      %swap3A_141 = vector.shape_cast %swap3A_140 : vector<1x16xf32> to vector<16xf32>
      %swap3A_142 = vector.shape_cast %scan3A_108#5 : vector<16xf32> to vector<1x16xf32>
      tpu.vector_store %arg7[%swap3A_138, %swap3A_139], %swap3A_142 {strides = array<i32>} : memref<128x128xf32, #tpu.memory_space<vmem>>, vector<1x16xf32>,
      %swap3A_143 = arith.index_cast %add3A_113 : i32 to index
      %swap3A_144 = arith.constant 96 : index
      %swap3A_145 = tpu.vector_load %arg7[%swap3A_143, %swap3A_144] {strides = array<i32>} : memref<128x128xf32, #tpu.memory_space<vmem>>, vector<1x16xf32>,
      %swap3A_146 = vector.shape_cast %swap3A_145 : vector<1x16xf32> to vector<16xf32>
      %swap3A_147 = vector.shape_cast %scan3A_108#6 : vector<16xf32> to vector<1x16xf32>
      tpu.vector_store %arg7[%swap3A_143, %swap3A_144], %swap3A_147 {strides = array<i32>} : memref<128x128xf32, #tpu.memory_space<vmem>>, vector<1x16xf32>,
      %swap3A_148 = arith.index_cast %add3A_113 : i32 to index
      %swap3A_149 = arith.constant 112 : index
      %swap3A_150 = tpu.vector_load %arg7[%swap3A_148, %swap3A_149] {strides = array<i32>} : memref<128x128xf32, #tpu.memory_space<vmem>>, vector<1x16xf32>,
      %swap3A_151 = vector.shape_cast %swap3A_150 : vector<1x16xf32> to vector<16xf32>
      %swap3A_152 = vector.shape_cast %scan3A_108#7 : vector<16xf32> to vector<1x16xf32>
      tpu.vector_store %arg7[%swap3A_148, %swap3A_149], %swap3A_152 {strides = array<i32>} : memref<128x128xf32, #tpu.memory_space<vmem>>, vector<1x16xf32>,
      %broadcast_in_dim3A_153 = arith.constant 0.000000e+00 : f32
      %broadcast_in_dim3A_154 = vector.broadcast %broadcast_in_dim3A_153 : f32 to vector<16xf32>
      %broadcast_in_dim3A_155 = arith.constant 0.000000e+00 : f32
      %broadcast_in_dim3A_156 = vector.broadcast %broadcast_in_dim3A_155 : f32 to vector<16xf32>
      %broadcast_in_dim3A_157 = arith.constant 0.000000e+00 : f32
      %broadcast_in_dim3A_158 = vector.broadcast %broadcast_in_dim3A_157 : f32 to vector<16xf32>
      %broadcast_in_dim3A_159 = arith.constant 0.000000e+00 : f32
      %broadcast_in_dim3A_160 = vector.broadcast %broadcast_in_dim3A_159 : f32 to vector<16xf32>
      %broadcast_in_dim3A_161 = arith.constant 0.000000e+00 : f32
      %broadcast_in_dim3A_162 = vector.broadcast %broadcast_in_dim3A_161 : f32 to vector<16xf32>
      %broadcast_in_dim3A_163 = arith.constant 0.000000e+00 : f32
      %broadcast_in_dim3A_164 = vector.broadcast %broadcast_in_dim3A_163 : f32 to vector<16xf32>
      %broadcast_in_dim3A_165 = arith.constant 0.000000e+00 : f32
      %broadcast_in_dim3A_166 = vector.broadcast %broadcast_in_dim3A_165 : f32 to vector<16xf32>
      %broadcast_in_dim3A_167 = arith.constant 0.000000e+00 : f32
      %broadcast_in_dim3A_168 = vector.broadcast %broadcast_in_dim3A_167 : f32 to vector<16xf32>
      %scan3A_169 = arith.constant 0 : i32
      %scan3A_170 = arith.constant 25 : i32
      %scan3A_171 = arith.addi %scan3A_169, %scan3A_170 : i32
      %scan3A_172 = arith.constant 1 : i32
      %scan3A_173:8 = scf.for %scan3A_376 = %scan3A_169 to %scan3A_171 step %scan3A_172 iter_args(%scan3A_377 = %broadcast_in_dim3A_154, %scan3A_378 = %broadcast_in_dim3A_156, %scan3A_379 = %broadcast_in_dim3A_158, %scan3A_380 = %broadcast_in_dim3A_160, %scan3A_381 = %broadcast_in_dim3A_162, %scan3A_382 = %broadcast_in_dim3A_164, %scan3A_383 = %broadcast_in_dim3A_166, %scan3A_384 = %broadcast_in_dim3A_168) -> (vector<16xf32>, vector<16xf32>, vector<16xf32>, vector<16xf32>, vector<16xf32>, vector<16xf32>, vector<16xf32>, vector<16xf32>)  : i32 {
        %mul3A_385 = arith.constant 2 : i32
        %mul3A_386 = arith.muli %scan3A_376, %mul3A_385 : i32
        %add3A_387 = arith.constant 50 : i32
        %add3A_388 = arith.addi %add3A_387, %mul3A_386 : i32
        %add3A_389 = arith.constant 0 : i32
        %add3A_390 = arith.addi %add3A_388, %add3A_389 : i32
        %get3A = arith.index_cast %rem3A_74 : i32 to index
        %get3A_391 = arith.index_cast %add3A_390 : i32 to index
        %get3A_392 = arith.constant 0 : index
        %get3A_393 = tpu.vector_load %arg6[%get3A, %get3A_391, %get3A_392] {strides = array<i32>} : memref<6x100x128xf32, #tpu.memory_space<vmem>>, vector<1x1x16xf32>,
        %get3A_394 = vector.shape_cast %get3A_393 : vector<1x1x16xf32> to vector<16xf32>
        %add3A_395 = arith.addf %scan3A_377, %get3A_394 : vector<16xf32>
        %mul3A_396 = arith.constant 2 : i32
        %mul3A_397 = arith.muli %scan3A_376, %mul3A_396 : i32
        %add3A_398 = arith.constant 50 : i32
        %add3A_399 = arith.addi %add3A_398, %mul3A_397 : i32
        %add3A_400 = arith.constant 0 : i32
        %add3A_401 = arith.addi %add3A_399, %add3A_400 : i32
        %get3A_402 = arith.index_cast %rem3A_74 : i32 to index
        %get3A_403 = arith.index_cast %add3A_401 : i32 to index
        %get3A_404 = arith.constant 16 : index
        %get3A_405 = tpu.vector_load %arg6[%get3A_402, %get3A_403, %get3A_404] {strides = array<i32>} : memref<6x100x128xf32, #tpu.memory_space<vmem>>, vector<1x1x16xf32>,
        %get3A_406 = vector.shape_cast %get3A_405 : vector<1x1x16xf32> to vector<16xf32>
        %add3A_407 = arith.addf %scan3A_378, %get3A_406 : vector<16xf32>
        %mul3A_408 = arith.constant 2 : i32
        %mul3A_409 = arith.muli %scan3A_376, %mul3A_408 : i32
        %add3A_410 = arith.constant 50 : i32
        %add3A_411 = arith.addi %add3A_410, %mul3A_409 : i32
        %add3A_412 = arith.constant 0 : i32
        %add3A_413 = arith.addi %add3A_411, %add3A_412 : i32
        %get3A_414 = arith.index_cast %rem3A_74 : i32 to index
        %get3A_415 = arith.index_cast %add3A_413 : i32 to index
        %get3A_416 = arith.constant 32 : index
        %get3A_417 = tpu.vector_load %arg6[%get3A_414, %get3A_415, %get3A_416] {strides = array<i32>} : memref<6x100x128xf32, #tpu.memory_space<vmem>>, vector<1x1x16xf32>,
        %get3A_418 = vector.shape_cast %get3A_417 : vector<1x1x16xf32> to vector<16xf32>
        %add3A_419 = arith.addf %scan3A_379, %get3A_418 : vector<16xf32>
        %mul3A_420 = arith.constant 2 : i32
        %mul3A_421 = arith.muli %scan3A_376, %mul3A_420 : i32
        %add3A_422 = arith.constant 50 : i32
        %add3A_423 = arith.addi %add3A_422, %mul3A_421 : i32
        %add3A_424 = arith.constant 0 : i32
        %add3A_425 = arith.addi %add3A_423, %add3A_424 : i32
        %get3A_426 = arith.index_cast %rem3A_74 : i32 to index
        %get3A_427 = arith.index_cast %add3A_425 : i32 to index
        %get3A_428 = arith.constant 48 : index
        %get3A_429 = tpu.vector_load %arg6[%get3A_426, %get3A_427, %get3A_428] {strides = array<i32>} : memref<6x100x128xf32, #tpu.memory_space<vmem>>, vector<1x1x16xf32>,
        %get3A_430 = vector.shape_cast %get3A_429 : vector<1x1x16xf32> to vector<16xf32>
        %add3A_431 = arith.addf %scan3A_380, %get3A_430 : vector<16xf32>
        %mul3A_432 = arith.constant 2 : i32
        %mul3A_433 = arith.muli %scan3A_376, %mul3A_432 : i32
        %add3A_434 = arith.constant 50 : i32
        %add3A_435 = arith.addi %add3A_434, %mul3A_433 : i32
        %add3A_436 = arith.constant 0 : i32
        %add3A_437 = arith.addi %add3A_435, %add3A_436 : i32
        %get3A_438 = arith.index_cast %rem3A_74 : i32 to index
        %get3A_439 = arith.index_cast %add3A_437 : i32 to index
        %get3A_440 = arith.constant 64 : index
        %get3A_441 = tpu.vector_load %arg6[%get3A_438, %get3A_439, %get3A_440] {strides = array<i32>} : memref<6x100x128xf32, #tpu.memory_space<vmem>>, vector<1x1x16xf32>,
        %get3A_442 = vector.shape_cast %get3A_441 : vector<1x1x16xf32> to vector<16xf32>
        %add3A_443 = arith.addf %scan3A_381, %get3A_442 : vector<16xf32>
        %mul3A_444 = arith.constant 2 : i32
        %mul3A_445 = arith.muli %scan3A_376, %mul3A_444 : i32
        %add3A_446 = arith.constant 50 : i32
        %add3A_447 = arith.addi %add3A_446, %mul3A_445 : i32
        %add3A_448 = arith.constant 0 : i32
        %add3A_449 = arith.addi %add3A_447, %add3A_448 : i32
        %get3A_450 = arith.index_cast %rem3A_74 : i32 to index
        %get3A_451 = arith.index_cast %add3A_449 : i32 to index
        %get3A_452 = arith.constant 80 : index
        %get3A_453 = tpu.vector_load %arg6[%get3A_450, %get3A_451, %get3A_452] {strides = array<i32>} : memref<6x100x128xf32, #tpu.memory_space<vmem>>, vector<1x1x16xf32>,
        %get3A_454 = vector.shape_cast %get3A_453 : vector<1x1x16xf32> to vector<16xf32>
        %add3A_455 = arith.addf %scan3A_382, %get3A_454 : vector<16xf32>
        %mul3A_456 = arith.constant 2 : i32
        %mul3A_457 = arith.muli %scan3A_376, %mul3A_456 : i32
        %add3A_458 = arith.constant 50 : i32
        %add3A_459 = arith.addi %add3A_458, %mul3A_457 : i32
        %add3A_460 = arith.constant 0 : i32
        %add3A_461 = arith.addi %add3A_459, %add3A_460 : i32
        %get3A_462 = arith.index_cast %rem3A_74 : i32 to index
        %get3A_463 = arith.index_cast %add3A_461 : i32 to index
        %get3A_464 = arith.constant 96 : index
        %get3A_465 = tpu.vector_load %arg6[%get3A_462, %get3A_463, %get3A_464] {strides = array<i32>} : memref<6x100x128xf32, #tpu.memory_space<vmem>>, vector<1x1x16xf32>,
        %get3A_466 = vector.shape_cast %get3A_465 : vector<1x1x16xf32> to vector<16xf32>
        %add3A_467 = arith.addf %scan3A_383, %get3A_466 : vector<16xf32>
        %mul3A_468 = arith.constant 2 : i32
        %mul3A_469 = arith.muli %scan3A_376, %mul3A_468 : i32
        %add3A_470 = arith.constant 50 : i32
        %add3A_471 = arith.addi %add3A_470, %mul3A_469 : i32
        %add3A_472 = arith.constant 0 : i32
        %add3A_473 = arith.addi %add3A_471, %add3A_472 : i32
        %get3A_474 = arith.index_cast %rem3A_74 : i32 to index
        %get3A_475 = arith.index_cast %add3A_473 : i32 to index
        %get3A_476 = arith.constant 112 : index
        %get3A_477 = tpu.vector_load %arg6[%get3A_474, %get3A_475, %get3A_476] {strides = array<i32>} : memref<6x100x128xf32, #tpu.memory_space<vmem>>, vector<1x1x16xf32>,
        %get3A_478 = vector.shape_cast %get3A_477 : vector<1x1x16xf32> to vector<16xf32>
        %add3A_479 = arith.addf %scan3A_384, %get3A_478 : vector<16xf32>
        %mul3A_480 = arith.constant 2 : i32
        %mul3A_481 = arith.muli %scan3A_376, %mul3A_480 : i32
        %add3A_482 = arith.constant 50 : i32
        %add3A_483 = arith.addi %add3A_482, %mul3A_481 : i32
        %add3A_484 = arith.constant 1 : i32
        %add3A_485 = arith.addi %add3A_483, %add3A_484 : i32
        %get3A_486 = arith.index_cast %rem3A_74 : i32 to index
        %get3A_487 = arith.index_cast %add3A_485 : i32 to index
        %get3A_488 = arith.constant 0 : index
        %get3A_489 = tpu.vector_load %arg6[%get3A_486, %get3A_487, %get3A_488] {strides = array<i32>} : memref<6x100x128xf32, #tpu.memory_space<vmem>>, vector<1x1x16xf32>,
        %get3A_490 = vector.shape_cast %get3A_489 : vector<1x1x16xf32> to vector<16xf32>
        %add3A_491 = arith.addf %add3A_395, %get3A_490 : vector<16xf32>
        %mul3A_492 = arith.constant 2 : i32
        %mul3A_493 = arith.muli %scan3A_376, %mul3A_492 : i32
        %add3A_494 = arith.constant 50 : i32
        %add3A_495 = arith.addi %add3A_494, %mul3A_493 : i32
        %add3A_496 = arith.constant 1 : i32
        %add3A_497 = arith.addi %add3A_495, %add3A_496 : i32
        %get3A_498 = arith.index_cast %rem3A_74 : i32 to index
        %get3A_499 = arith.index_cast %add3A_497 : i32 to index
        %get3A_500 = arith.constant 16 : index
        %get3A_501 = tpu.vector_load %arg6[%get3A_498, %get3A_499, %get3A_500] {strides = array<i32>} : memref<6x100x128xf32, #tpu.memory_space<vmem>>, vector<1x1x16xf32>,
        %get3A_502 = vector.shape_cast %get3A_501 : vector<1x1x16xf32> to vector<16xf32>
        %add3A_503 = arith.addf %add3A_407, %get3A_502 : vector<16xf32>
        %mul3A_504 = arith.constant 2 : i32
        %mul3A_505 = arith.muli %scan3A_376, %mul3A_504 : i32
        %add3A_506 = arith.constant 50 : i32
        %add3A_507 = arith.addi %add3A_506, %mul3A_505 : i32
        %add3A_508 = arith.constant 1 : i32
        %add3A_509 = arith.addi %add3A_507, %add3A_508 : i32
        %get3A_510 = arith.index_cast %rem3A_74 : i32 to index
        %get3A_511 = arith.index_cast %add3A_509 : i32 to index
        %get3A_512 = arith.constant 32 : index
        %get3A_513 = tpu.vector_load %arg6[%get3A_510, %get3A_511, %get3A_512] {strides = array<i32>} : memref<6x100x128xf32, #tpu.memory_space<vmem>>, vector<1x1x16xf32>,
        %get3A_514 = vector.shape_cast %get3A_513 : vector<1x1x16xf32> to vector<16xf32>
        %add3A_515 = arith.addf %add3A_419, %get3A_514 : vector<16xf32>
        %mul3A_516 = arith.constant 2 : i32
        %mul3A_517 = arith.muli %scan3A_376, %mul3A_516 : i32
        %add3A_518 = arith.constant 50 : i32
        %add3A_519 = arith.addi %add3A_518, %mul3A_517 : i32
        %add3A_520 = arith.constant 1 : i32
        %add3A_521 = arith.addi %add3A_519, %add3A_520 : i32
        %get3A_522 = arith.index_cast %rem3A_74 : i32 to index
        %get3A_523 = arith.index_cast %add3A_521 : i32 to index
        %get3A_524 = arith.constant 48 : index
        %get3A_525 = tpu.vector_load %arg6[%get3A_522, %get3A_523, %get3A_524] {strides = array<i32>} : memref<6x100x128xf32, #tpu.memory_space<vmem>>, vector<1x1x16xf32>,
        %get3A_526 = vector.shape_cast %get3A_525 : vector<1x1x16xf32> to vector<16xf32>
        %add3A_527 = arith.addf %add3A_431, %get3A_526 : vector<16xf32>
        %mul3A_528 = arith.constant 2 : i32
        %mul3A_529 = arith.muli %scan3A_376, %mul3A_528 : i32
        %add3A_530 = arith.constant 50 : i32
        %add3A_531 = arith.addi %add3A_530, %mul3A_529 : i32
        %add3A_532 = arith.constant 1 : i32
        %add3A_533 = arith.addi %add3A_531, %add3A_532 : i32
        %get3A_534 = arith.index_cast %rem3A_74 : i32 to index
        %get3A_535 = arith.index_cast %add3A_533 : i32 to index
        %get3A_536 = arith.constant 64 : index
        %get3A_537 = tpu.vector_load %arg6[%get3A_534, %get3A_535, %get3A_536] {strides = array<i32>} : memref<6x100x128xf32, #tpu.memory_space<vmem>>, vector<1x1x16xf32>,
        %get3A_538 = vector.shape_cast %get3A_537 : vector<1x1x16xf32> to vector<16xf32>
        %add3A_539 = arith.addf %add3A_443, %get3A_538 : vector<16xf32>
        %mul3A_540 = arith.constant 2 : i32
        %mul3A_541 = arith.muli %scan3A_376, %mul3A_540 : i32
        %add3A_542 = arith.constant 50 : i32
        %add3A_543 = arith.addi %add3A_542, %mul3A_541 : i32
        %add3A_544 = arith.constant 1 : i32
        %add3A_545 = arith.addi %add3A_543, %add3A_544 : i32
        %get3A_546 = arith.index_cast %rem3A_74 : i32 to index
        %get3A_547 = arith.index_cast %add3A_545 : i32 to index
        %get3A_548 = arith.constant 80 : index
        %get3A_549 = tpu.vector_load %arg6[%get3A_546, %get3A_547, %get3A_548] {strides = array<i32>} : memref<6x100x128xf32, #tpu.memory_space<vmem>>, vector<1x1x16xf32>,
        %get3A_550 = vector.shape_cast %get3A_549 : vector<1x1x16xf32> to vector<16xf32>
        %add3A_551 = arith.addf %add3A_455, %get3A_550 : vector<16xf32>
        %mul3A_552 = arith.constant 2 : i32
        %mul3A_553 = arith.muli %scan3A_376, %mul3A_552 : i32
        %add3A_554 = arith.constant 50 : i32
        %add3A_555 = arith.addi %add3A_554, %mul3A_553 : i32
        %add3A_556 = arith.constant 1 : i32
        %add3A_557 = arith.addi %add3A_555, %add3A_556 : i32
        %get3A_558 = arith.index_cast %rem3A_74 : i32 to index
        %get3A_559 = arith.index_cast %add3A_557 : i32 to index
        %get3A_560 = arith.constant 96 : index
        %get3A_561 = tpu.vector_load %arg6[%get3A_558, %get3A_559, %get3A_560] {strides = array<i32>} : memref<6x100x128xf32, #tpu.memory_space<vmem>>, vector<1x1x16xf32>,
        %get3A_562 = vector.shape_cast %get3A_561 : vector<1x1x16xf32> to vector<16xf32>
        %add3A_563 = arith.addf %add3A_467, %get3A_562 : vector<16xf32>
        %mul3A_564 = arith.constant 2 : i32
        %mul3A_565 = arith.muli %scan3A_376, %mul3A_564 : i32
        %add3A_566 = arith.constant 50 : i32
        %add3A_567 = arith.addi %add3A_566, %mul3A_565 : i32
        %add3A_568 = arith.constant 1 : i32
        %add3A_569 = arith.addi %add3A_567, %add3A_568 : i32
        %get3A_570 = arith.index_cast %rem3A_74 : i32 to index
        %get3A_571 = arith.index_cast %add3A_569 : i32 to index
        %get3A_572 = arith.constant 112 : index
        %get3A_573 = tpu.vector_load %arg6[%get3A_570, %get3A_571, %get3A_572] {strides = array<i32>} : memref<6x100x128xf32, #tpu.memory_space<vmem>>, vector<1x1x16xf32>,
        %get3A_574 = vector.shape_cast %get3A_573 : vector<1x1x16xf32> to vector<16xf32>
        %add3A_575 = arith.addf %add3A_479, %get3A_574 : vector<16xf32>
        scf.yield %add3A_491, %add3A_503, %add3A_515, %add3A_527, %add3A_539, %add3A_551, %add3A_563, %add3A_575 : vector<16xf32>, vector<16xf32>, vector<16xf32>, vector<16xf32>, vector<16xf32>, vector<16xf32>, vector<16xf32>, vector<16xf32>
      }
      %scan3A_174 = arith.constant 25 : i32
      %mul3A_175 = arith.constant 2 : i32
      %mul3A_176 = arith.muli %add3A_73, %mul3A_175 : i32
      %add3A_177 = arith.constant 1 : i32
      %add3A_178 = arith.addi %mul3A_176, %add3A_177 : i32
      %swap3A_179 = arith.index_cast %add3A_178 : i32 to index
      %swap3A_180 = arith.constant 0 : index
      %swap3A_181 = tpu.vector_load %arg7[%swap3A_179, %swap3A_180] {strides = array<i32>} : memref<128x128xf32, #tpu.memory_space<vmem>>, vector<1x16xf32>,
      %swap3A_182 = vector.shape_cast %swap3A_181 : vector<1x16xf32> to vector<16xf32>
      %swap3A_183 = vector.shape_cast %scan3A_173#0 : vector<16xf32> to vector<1x16xf32>
      tpu.vector_store %arg7[%swap3A_179, %swap3A_180], %swap3A_183 {strides = array<i32>} : memref<128x128xf32, #tpu.memory_space<vmem>>, vector<1x16xf32>,
      %swap3A_184 = arith.index_cast %add3A_178 : i32 to index
      %swap3A_185 = arith.constant 16 : index
      %swap3A_186 = tpu.vector_load %arg7[%swap3A_184, %swap3A_185] {strides = array<i32>} : memref<128x128xf32, #tpu.memory_space<vmem>>, vector<1x16xf32>,
      %swap3A_187 = vector.shape_cast %swap3A_186 : vector<1x16xf32> to vector<16xf32>
      %swap3A_188 = vector.shape_cast %scan3A_173#1 : vector<16xf32> to vector<1x16xf32>
      tpu.vector_store %arg7[%swap3A_184, %swap3A_185], %swap3A_188 {strides = array<i32>} : memref<128x128xf32, #tpu.memory_space<vmem>>, vector<1x16xf32>,
      %swap3A_189 = arith.index_cast %add3A_178 : i32 to index
      %swap3A_190 = arith.constant 32 : index
      %swap3A_191 = tpu.vector_load %arg7[%swap3A_189, %swap3A_190] {strides = array<i32>} : memref<128x128xf32, #tpu.memory_space<vmem>>, vector<1x16xf32>,
      %swap3A_192 = vector.shape_cast %swap3A_191 : vector<1x16xf32> to vector<16xf32>
      %swap3A_193 = vector.shape_cast %scan3A_173#2 : vector<16xf32> to vector<1x16xf32>
      tpu.vector_store %arg7[%swap3A_189, %swap3A_190], %swap3A_193 {strides = array<i32>} : memref<128x128xf32, #tpu.memory_space<vmem>>, vector<1x16xf32>,
      %swap3A_194 = arith.index_cast %add3A_178 : i32 to index
      %swap3A_195 = arith.constant 48 : index
      %swap3A_196 = tpu.vector_load %arg7[%swap3A_194, %swap3A_195] {strides = array<i32>} : memref<128x128xf32, #tpu.memory_space<vmem>>, vector<1x16xf32>,
      %swap3A_197 = vector.shape_cast %swap3A_196 : vector<1x16xf32> to vector<16xf32>
      %swap3A_198 = vector.shape_cast %scan3A_173#3 : vector<16xf32> to vector<1x16xf32>
      tpu.vector_store %arg7[%swap3A_194, %swap3A_195], %swap3A_198 {strides = array<i32>} : memref<128x128xf32, #tpu.memory_space<vmem>>, vector<1x16xf32>,
      %swap3A_199 = arith.index_cast %add3A_178 : i32 to index
      %swap3A_200 = arith.constant 64 : index
      %swap3A_201 = tpu.vector_load %arg7[%swap3A_199, %swap3A_200] {strides = array<i32>} : memref<128x128xf32, #tpu.memory_space<vmem>>, vector<1x16xf32>,
      %swap3A_202 = vector.shape_cast %swap3A_201 : vector<1x16xf32> to vector<16xf32>
      %swap3A_203 = vector.shape_cast %scan3A_173#4 : vector<16xf32> to vector<1x16xf32>
      tpu.vector_store %arg7[%swap3A_199, %swap3A_200], %swap3A_203 {strides = array<i32>} : memref<128x128xf32, #tpu.memory_space<vmem>>, vector<1x16xf32>,
      %swap3A_204 = arith.index_cast %add3A_178 : i32 to index
      %swap3A_205 = arith.constant 80 : index
      %swap3A_206 = tpu.vector_load %arg7[%swap3A_204, %swap3A_205] {strides = array<i32>} : memref<128x128xf32, #tpu.memory_space<vmem>>, vector<1x16xf32>,
      %swap3A_207 = vector.shape_cast %swap3A_206 : vector<1x16xf32> to vector<16xf32>
      %swap3A_208 = vector.shape_cast %scan3A_173#5 : vector<16xf32> to vector<1x16xf32>
      tpu.vector_store %arg7[%swap3A_204, %swap3A_205], %swap3A_208 {strides = array<i32>} : memref<128x128xf32, #tpu.memory_space<vmem>>, vector<1x16xf32>,
      %swap3A_209 = arith.index_cast %add3A_178 : i32 to index
      %swap3A_210 = arith.constant 96 : index
      %swap3A_211 = tpu.vector_load %arg7[%swap3A_209, %swap3A_210] {strides = array<i32>} : memref<128x128xf32, #tpu.memory_space<vmem>>, vector<1x16xf32>,
      %swap3A_212 = vector.shape_cast %swap3A_211 : vector<1x16xf32> to vector<16xf32>
      %swap3A_213 = vector.shape_cast %scan3A_173#6 : vector<16xf32> to vector<1x16xf32>
      tpu.vector_store %arg7[%swap3A_209, %swap3A_210], %swap3A_213 {strides = array<i32>} : memref<128x128xf32, #tpu.memory_space<vmem>>, vector<1x16xf32>,
      %swap3A_214 = arith.index_cast %add3A_178 : i32 to index
      %swap3A_215 = arith.constant 112 : index
      %swap3A_216 = tpu.vector_load %arg7[%swap3A_214, %swap3A_215] {strides = array<i32>} : memref<128x128xf32, #tpu.memory_space<vmem>>, vector<1x16xf32>,
      %swap3A_217 = vector.shape_cast %swap3A_216 : vector<1x16xf32> to vector<16xf32>
      %swap3A_218 = vector.shape_cast %scan3A_173#7 : vector<16xf32> to vector<1x16xf32>
      tpu.vector_store %arg7[%swap3A_214, %swap3A_215], %swap3A_218 {strides = array<i32>} : memref<128x128xf32, #tpu.memory_space<vmem>>, vector<1x16xf32>,
      %mul3A_219 = arith.constant 2 : i32
      %mul3A_220 = arith.muli %scan3A_69, %mul3A_219 : i32
      %add3A_221 = arith.constant 1 : i32
      %add3A_222 = arith.addi %mul3A_220, %add3A_221 : i32
      %rem3A_223 = arith.constant 6 : i32
      %rem3A_224 = arith.remsi %add3A_222, %rem3A_223 : i32
      %dma_wait3A_225 = arith.constant 0 : i32
      %dma_wait3A_226 = arith.constant 0 : i32
      %dma_wait3A_227 = tpu.memref_slice %arg6[%rem3A_224, %dma_wait3A_225, %dma_wait3A_226] : memref<6x100x128xf32, #tpu.memory_space<vmem>> -> memref<1x100x128xf32, #tpu.memory_space<vmem>>
      %dma_wait3A_228 = tpu.memref_squeeze %dma_wait3A_227 : memref<1x100x128xf32, #tpu.memory_space<vmem>> -> memref<100x128xf32, #tpu.memory_space<vmem>>
      %dma_wait3A_229 = arith.constant 0 : i32
      %dma_wait3A_230 = tpu.memref_slice %arg5[%add3A_222, %dma_wait3A_229] : memref<64x100xi32, #tpu.memory_space<vmem>> -> memref<1x100xi32, #tpu.memory_space<vmem>>
      %dma_wait3A_231 = tpu.memref_squeeze %dma_wait3A_230 : memref<1x100xi32, #tpu.memory_space<vmem>> -> memref<100xi32, #tpu.memory_space<vmem>>
      %dma_wait3A_232 = arith.constant 0 : i32
      %dma_wait3A_233 = arith.constant 0 : i32
      %dma_wait3A_234 = tpu.memref_slice %arg2[%dma_wait3A_232, %dma_wait3A_233] : memref<100000x128xf32, #tpu.memory_space<hbm>> -> memref<100000x128xf32, #tpu.memory_space<hbm>>
      tpu.wait_indirect_dma semaphore(%arg8 : memref<!tpu.dma_semaphore, #tpu.memory_space<semaphore_mem>>) src(%dma_wait3A_234 : memref<100000x128xf32, #tpu.memory_space<hbm>>) dst(%dma_wait3A_228 : memref<100x128xf32, #tpu.memory_space<vmem>>)
      %add3A_235 = arith.constant 6 : i32
      %add3A_236 = arith.addi %add3A_222, %add3A_235 : i32
      %sub3A_237 = arith.constant 1 : i32
      %sub3A_238 = arith.subi %add3A_236, %sub3A_237 : i32
      %lt3A_239 = arith.constant 64 : i32
      %lt3A_240 = arith.cmpi slt, %sub3A_238, %lt3A_239 : i32
      %convert_element_type3A_241 = arith.extui %lt3A_240 : i1 to i32
      %cond3A_242 = arith.constant 0 : i32
      %cond3A_243 = arith.cmpi ne, %convert_element_type3A_241, %cond3A_242 : i32
      scf.if %cond3A_243 {
        %rem3A_376 = arith.constant 6 : i32
        %rem3A_377 = arith.remsi %sub3A_238, %rem3A_376 : i32
        %dma_start3A_378 = arith.constant 0 : i32
        %dma_start3A_379 = arith.constant 0 : i32
        %dma_start3A_380 = tpu.memref_slice %arg6[%rem3A_377, %dma_start3A_378, %dma_start3A_379] : memref<6x100x128xf32, #tpu.memory_space<vmem>> -> memref<1x100x128xf32, #tpu.memory_space<vmem>>
        %dma_start3A_381 = tpu.memref_squeeze %dma_start3A_380 : memref<1x100x128xf32, #tpu.memory_space<vmem>> -> memref<100x128xf32, #tpu.memory_space<vmem>>
        %dma_start3A_382 = arith.constant 0 : i32
        %dma_start3A_383 = tpu.memref_slice %arg5[%sub3A_238, %dma_start3A_382] : memref<64x100xi32, #tpu.memory_space<vmem>> -> memref<1x100xi32, #tpu.memory_space<vmem>>
        %dma_start3A_384 = tpu.memref_squeeze %dma_start3A_383 : memref<1x100xi32, #tpu.memory_space<vmem>> -> memref<100xi32, #tpu.memory_space<vmem>>
        %dma_start3A_385 = arith.constant 0 : i32
        %dma_start3A_386 = arith.constant 0 : i32
        %dma_start3A_387 = tpu.memref_slice %arg2[%dma_start3A_385, %dma_start3A_386] : memref<100000x128xf32, #tpu.memory_space<hbm>> -> memref<100000x128xf32, #tpu.memory_space<hbm>>
        tpu.enqueue_indirect_dma source(%dma_start3A_387 : memref<100000x128xf32, #tpu.memory_space<hbm>>) target(%dma_start3A_381 : memref<100x128xf32, #tpu.memory_space<vmem>>) offsets(%dma_start3A_384 : memref<100xi32, #tpu.memory_space<vmem>>) semaphore(%arg8 : memref<!tpu.dma_semaphore, #tpu.memory_space<semaphore_mem>>)
      } else {
      }
      %broadcast_in_dim3A_244 = arith.constant 0.000000e+00 : f32
      %broadcast_in_dim3A_245 = vector.broadcast %broadcast_in_dim3A_244 : f32 to vector<16xf32>
      %broadcast_in_dim3A_246 = arith.constant 0.000000e+00 : f32
      %broadcast_in_dim3A_247 = vector.broadcast %broadcast_in_dim3A_246 : f32 to vector<16xf32>
      %broadcast_in_dim3A_248 = arith.constant 0.000000e+00 : f32
      %broadcast_in_dim3A_249 = vector.broadcast %broadcast_in_dim3A_248 : f32 to vector<16xf32>
      %broadcast_in_dim3A_250 = arith.constant 0.000000e+00 : f32
      %broadcast_in_dim3A_251 = vector.broadcast %broadcast_in_dim3A_250 : f32 to vector<16xf32>
      %broadcast_in_dim3A_252 = arith.constant 0.000000e+00 : f32
      %broadcast_in_dim3A_253 = vector.broadcast %broadcast_in_dim3A_252 : f32 to vector<16xf32>
      %broadcast_in_dim3A_254 = arith.constant 0.000000e+00 : f32
      %broadcast_in_dim3A_255 = vector.broadcast %broadcast_in_dim3A_254 : f32 to vector<16xf32>
      %broadcast_in_dim3A_256 = arith.constant 0.000000e+00 : f32
      %broadcast_in_dim3A_257 = vector.broadcast %broadcast_in_dim3A_256 : f32 to vector<16xf32>
      %broadcast_in_dim3A_258 = arith.constant 0.000000e+00 : f32
      %broadcast_in_dim3A_259 = vector.broadcast %broadcast_in_dim3A_258 : f32 to vector<16xf32>
      %scan3A_260 = arith.constant 0 : i32
      %scan3A_261 = arith.constant 25 : i32
      %scan3A_262 = arith.addi %scan3A_260, %scan3A_261 : i32
      %scan3A_263 = arith.constant 1 : i32
      %scan3A_264:8 = scf.for %scan3A_376 = %scan3A_260 to %scan3A_262 step %scan3A_263 iter_args(%scan3A_377 = %broadcast_in_dim3A_245, %scan3A_378 = %broadcast_in_dim3A_247, %scan3A_379 = %broadcast_in_dim3A_249, %scan3A_380 = %broadcast_in_dim3A_251, %scan3A_381 = %broadcast_in_dim3A_253, %scan3A_382 = %broadcast_in_dim3A_255, %scan3A_383 = %broadcast_in_dim3A_257, %scan3A_384 = %broadcast_in_dim3A_259) -> (vector<16xf32>, vector<16xf32>, vector<16xf32>, vector<16xf32>, vector<16xf32>, vector<16xf32>, vector<16xf32>, vector<16xf32>)  : i32 {
        %mul3A_385 = arith.constant 2 : i32
        %mul3A_386 = arith.muli %scan3A_376, %mul3A_385 : i32
        %add3A_387 = arith.constant 0 : i32
        %add3A_388 = arith.addi %add3A_387, %mul3A_386 : i32
        %add3A_389 = arith.constant 0 : i32
        %add3A_390 = arith.addi %add3A_388, %add3A_389 : i32
        %get3A = arith.index_cast %rem3A_224 : i32 to index
        %get3A_391 = arith.index_cast %add3A_390 : i32 to index
        %get3A_392 = arith.constant 0 : index
        %get3A_393 = tpu.vector_load %arg6[%get3A, %get3A_391, %get3A_392] {strides = array<i32>} : memref<6x100x128xf32, #tpu.memory_space<vmem>>, vector<1x1x16xf32>,
        %get3A_394 = vector.shape_cast %get3A_393 : vector<1x1x16xf32> to vector<16xf32>
        %add3A_395 = arith.addf %scan3A_377, %get3A_394 : vector<16xf32>
        %mul3A_396 = arith.constant 2 : i32
        %mul3A_397 = arith.muli %scan3A_376, %mul3A_396 : i32
        %add3A_398 = arith.constant 0 : i32
        %add3A_399 = arith.addi %add3A_398, %mul3A_397 : i32
        %add3A_400 = arith.constant 0 : i32
        %add3A_401 = arith.addi %add3A_399, %add3A_400 : i32
        %get3A_402 = arith.index_cast %rem3A_224 : i32 to index
        %get3A_403 = arith.index_cast %add3A_401 : i32 to index
        %get3A_404 = arith.constant 16 : index
        %get3A_405 = tpu.vector_load %arg6[%get3A_402, %get3A_403, %get3A_404] {strides = array<i32>} : memref<6x100x128xf32, #tpu.memory_space<vmem>>, vector<1x1x16xf32>,
        %get3A_406 = vector.shape_cast %get3A_405 : vector<1x1x16xf32> to vector<16xf32>
        %add3A_407 = arith.addf %scan3A_378, %get3A_406 : vector<16xf32>
        %mul3A_408 = arith.constant 2 : i32
        %mul3A_409 = arith.muli %scan3A_376, %mul3A_408 : i32
        %add3A_410 = arith.constant 0 : i32
        %add3A_411 = arith.addi %add3A_410, %mul3A_409 : i32
        %add3A_412 = arith.constant 0 : i32
        %add3A_413 = arith.addi %add3A_411, %add3A_412 : i32
        %get3A_414 = arith.index_cast %rem3A_224 : i32 to index
        %get3A_415 = arith.index_cast %add3A_413 : i32 to index
        %get3A_416 = arith.constant 32 : index
        %get3A_417 = tpu.vector_load %arg6[%get3A_414, %get3A_415, %get3A_416] {strides = array<i32>} : memref<6x100x128xf32, #tpu.memory_space<vmem>>, vector<1x1x16xf32>,
        %get3A_418 = vector.shape_cast %get3A_417 : vector<1x1x16xf32> to vector<16xf32>
        %add3A_419 = arith.addf %scan3A_379, %get3A_418 : vector<16xf32>
        %mul3A_420 = arith.constant 2 : i32
        %mul3A_421 = arith.muli %scan3A_376, %mul3A_420 : i32
        %add3A_422 = arith.constant 0 : i32
        %add3A_423 = arith.addi %add3A_422, %mul3A_421 : i32
        %add3A_424 = arith.constant 0 : i32
        %add3A_425 = arith.addi %add3A_423, %add3A_424 : i32
        %get3A_426 = arith.index_cast %rem3A_224 : i32 to index
        %get3A_427 = arith.index_cast %add3A_425 : i32 to index
        %get3A_428 = arith.constant 48 : index
        %get3A_429 = tpu.vector_load %arg6[%get3A_426, %get3A_427, %get3A_428] {strides = array<i32>} : memref<6x100x128xf32, #tpu.memory_space<vmem>>, vector<1x1x16xf32>,
        %get3A_430 = vector.shape_cast %get3A_429 : vector<1x1x16xf32> to vector<16xf32>
        %add3A_431 = arith.addf %scan3A_380, %get3A_430 : vector<16xf32>
        %mul3A_432 = arith.constant 2 : i32
        %mul3A_433 = arith.muli %scan3A_376, %mul3A_432 : i32
        %add3A_434 = arith.constant 0 : i32
        %add3A_435 = arith.addi %add3A_434, %mul3A_433 : i32
        %add3A_436 = arith.constant 0 : i32
        %add3A_437 = arith.addi %add3A_435, %add3A_436 : i32
        %get3A_438 = arith.index_cast %rem3A_224 : i32 to index
        %get3A_439 = arith.index_cast %add3A_437 : i32 to index
        %get3A_440 = arith.constant 64 : index
        %get3A_441 = tpu.vector_load %arg6[%get3A_438, %get3A_439, %get3A_440] {strides = array<i32>} : memref<6x100x128xf32, #tpu.memory_space<vmem>>, vector<1x1x16xf32>,
        %get3A_442 = vector.shape_cast %get3A_441 : vector<1x1x16xf32> to vector<16xf32>
        %add3A_443 = arith.addf %scan3A_381, %get3A_442 : vector<16xf32>
        %mul3A_444 = arith.constant 2 : i32
        %mul3A_445 = arith.muli %scan3A_376, %mul3A_444 : i32
        %add3A_446 = arith.constant 0 : i32
        %add3A_447 = arith.addi %add3A_446, %mul3A_445 : i32
        %add3A_448 = arith.constant 0 : i32
        %add3A_449 = arith.addi %add3A_447, %add3A_448 : i32
        %get3A_450 = arith.index_cast %rem3A_224 : i32 to index
        %get3A_451 = arith.index_cast %add3A_449 : i32 to index
        %get3A_452 = arith.constant 80 : index
        %get3A_453 = tpu.vector_load %arg6[%get3A_450, %get3A_451, %get3A_452] {strides = array<i32>} : memref<6x100x128xf32, #tpu.memory_space<vmem>>, vector<1x1x16xf32>,
        %get3A_454 = vector.shape_cast %get3A_453 : vector<1x1x16xf32> to vector<16xf32>
        %add3A_455 = arith.addf %scan3A_382, %get3A_454 : vector<16xf32>
        %mul3A_456 = arith.constant 2 : i32
        %mul3A_457 = arith.muli %scan3A_376, %mul3A_456 : i32
        %add3A_458 = arith.constant 0 : i32
        %add3A_459 = arith.addi %add3A_458, %mul3A_457 : i32
        %add3A_460 = arith.constant 0 : i32
        %add3A_461 = arith.addi %add3A_459, %add3A_460 : i32
        %get3A_462 = arith.index_cast %rem3A_224 : i32 to index
        %get3A_463 = arith.index_cast %add3A_461 : i32 to index
        %get3A_464 = arith.constant 96 : index
        %get3A_465 = tpu.vector_load %arg6[%get3A_462, %get3A_463, %get3A_464] {strides = array<i32>} : memref<6x100x128xf32, #tpu.memory_space<vmem>>, vector<1x1x16xf32>,
        %get3A_466 = vector.shape_cast %get3A_465 : vector<1x1x16xf32> to vector<16xf32>
        %add3A_467 = arith.addf %scan3A_383, %get3A_466 : vector<16xf32>
        %mul3A_468 = arith.constant 2 : i32
        %mul3A_469 = arith.muli %scan3A_376, %mul3A_468 : i32
        %add3A_470 = arith.constant 0 : i32
        %add3A_471 = arith.addi %add3A_470, %mul3A_469 : i32
        %add3A_472 = arith.constant 0 : i32
        %add3A_473 = arith.addi %add3A_471, %add3A_472 : i32
        %get3A_474 = arith.index_cast %rem3A_224 : i32 to index
        %get3A_475 = arith.index_cast %add3A_473 : i32 to index
        %get3A_476 = arith.constant 112 : index
        %get3A_477 = tpu.vector_load %arg6[%get3A_474, %get3A_475, %get3A_476] {strides = array<i32>} : memref<6x100x128xf32, #tpu.memory_space<vmem>>, vector<1x1x16xf32>,
        %get3A_478 = vector.shape_cast %get3A_477 : vector<1x1x16xf32> to vector<16xf32>
        %add3A_479 = arith.addf %scan3A_384, %get3A_478 : vector<16xf32>
        %mul3A_480 = arith.constant 2 : i32
        %mul3A_481 = arith.muli %scan3A_376, %mul3A_480 : i32
        %add3A_482 = arith.constant 0 : i32
        %add3A_483 = arith.addi %add3A_482, %mul3A_481 : i32
        %add3A_484 = arith.constant 1 : i32
        %add3A_485 = arith.addi %add3A_483, %add3A_484 : i32
        %get3A_486 = arith.index_cast %rem3A_224 : i32 to index
        %get3A_487 = arith.index_cast %add3A_485 : i32 to index
        %get3A_488 = arith.constant 0 : index
        %get3A_489 = tpu.vector_load %arg6[%get3A_486, %get3A_487, %get3A_488] {strides = array<i32>} : memref<6x100x128xf32, #tpu.memory_space<vmem>>, vector<1x1x16xf32>,
        %get3A_490 = vector.shape_cast %get3A_489 : vector<1x1x16xf32> to vector<16xf32>
        %add3A_491 = arith.addf %add3A_395, %get3A_490 : vector<16xf32>
        %mul3A_492 = arith.constant 2 : i32
        %mul3A_493 = arith.muli %scan3A_376, %mul3A_492 : i32
        %add3A_494 = arith.constant 0 : i32
        %add3A_495 = arith.addi %add3A_494, %mul3A_493 : i32
        %add3A_496 = arith.constant 1 : i32
        %add3A_497 = arith.addi %add3A_495, %add3A_496 : i32
        %get3A_498 = arith.index_cast %rem3A_224 : i32 to index
        %get3A_499 = arith.index_cast %add3A_497 : i32 to index
        %get3A_500 = arith.constant 16 : index
        %get3A_501 = tpu.vector_load %arg6[%get3A_498, %get3A_499, %get3A_500] {strides = array<i32>} : memref<6x100x128xf32, #tpu.memory_space<vmem>>, vector<1x1x16xf32>,
        %get3A_502 = vector.shape_cast %get3A_501 : vector<1x1x16xf32> to vector<16xf32>
        %add3A_503 = arith.addf %add3A_407, %get3A_502 : vector<16xf32>
        %mul3A_504 = arith.constant 2 : i32
        %mul3A_505 = arith.muli %scan3A_376, %mul3A_504 : i32
        %add3A_506 = arith.constant 0 : i32
        %add3A_507 = arith.addi %add3A_506, %mul3A_505 : i32
        %add3A_508 = arith.constant 1 : i32
        %add3A_509 = arith.addi %add3A_507, %add3A_508 : i32
        %get3A_510 = arith.index_cast %rem3A_224 : i32 to index
        %get3A_511 = arith.index_cast %add3A_509 : i32 to index
        %get3A_512 = arith.constant 32 : index
        %get3A_513 = tpu.vector_load %arg6[%get3A_510, %get3A_511, %get3A_512] {strides = array<i32>} : memref<6x100x128xf32, #tpu.memory_space<vmem>>, vector<1x1x16xf32>,
        %get3A_514 = vector.shape_cast %get3A_513 : vector<1x1x16xf32> to vector<16xf32>
        %add3A_515 = arith.addf %add3A_419, %get3A_514 : vector<16xf32>
        %mul3A_516 = arith.constant 2 : i32
        %mul3A_517 = arith.muli %scan3A_376, %mul3A_516 : i32
        %add3A_518 = arith.constant 0 : i32
        %add3A_519 = arith.addi %add3A_518, %mul3A_517 : i32
        %add3A_520 = arith.constant 1 : i32
        %add3A_521 = arith.addi %add3A_519, %add3A_520 : i32
        %get3A_522 = arith.index_cast %rem3A_224 : i32 to index
        %get3A_523 = arith.index_cast %add3A_521 : i32 to index
        %get3A_524 = arith.constant 48 : index
        %get3A_525 = tpu.vector_load %arg6[%get3A_522, %get3A_523, %get3A_524] {strides = array<i32>} : memref<6x100x128xf32, #tpu.memory_space<vmem>>, vector<1x1x16xf32>,
        %get3A_526 = vector.shape_cast %get3A_525 : vector<1x1x16xf32> to vector<16xf32>
        %add3A_527 = arith.addf %add3A_431, %get3A_526 : vector<16xf32>
        %mul3A_528 = arith.constant 2 : i32
        %mul3A_529 = arith.muli %scan3A_376, %mul3A_528 : i32
        %add3A_530 = arith.constant 0 : i32
        %add3A_531 = arith.addi %add3A_530, %mul3A_529 : i32
        %add3A_532 = arith.constant 1 : i32
        %add3A_533 = arith.addi %add3A_531, %add3A_532 : i32
        %get3A_534 = arith.index_cast %rem3A_224 : i32 to index
        %get3A_535 = arith.index_cast %add3A_533 : i32 to index
        %get3A_536 = arith.constant 64 : index
        %get3A_537 = tpu.vector_load %arg6[%get3A_534, %get3A_535, %get3A_536] {strides = array<i32>} : memref<6x100x128xf32, #tpu.memory_space<vmem>>, vector<1x1x16xf32>,
        %get3A_538 = vector.shape_cast %get3A_537 : vector<1x1x16xf32> to vector<16xf32>
        %add3A_539 = arith.addf %add3A_443, %get3A_538 : vector<16xf32>
        %mul3A_540 = arith.constant 2 : i32
        %mul3A_541 = arith.muli %scan3A_376, %mul3A_540 : i32
        %add3A_542 = arith.constant 0 : i32
        %add3A_543 = arith.addi %add3A_542, %mul3A_541 : i32
        %add3A_544 = arith.constant 1 : i32
        %add3A_545 = arith.addi %add3A_543, %add3A_544 : i32
        %get3A_546 = arith.index_cast %rem3A_224 : i32 to index
        %get3A_547 = arith.index_cast %add3A_545 : i32 to index
        %get3A_548 = arith.constant 80 : index
        %get3A_549 = tpu.vector_load %arg6[%get3A_546, %get3A_547, %get3A_548] {strides = array<i32>} : memref<6x100x128xf32, #tpu.memory_space<vmem>>, vector<1x1x16xf32>,
        %get3A_550 = vector.shape_cast %get3A_549 : vector<1x1x16xf32> to vector<16xf32>
        %add3A_551 = arith.addf %add3A_455, %get3A_550 : vector<16xf32>
        %mul3A_552 = arith.constant 2 : i32
        %mul3A_553 = arith.muli %scan3A_376, %mul3A_552 : i32
        %add3A_554 = arith.constant 0 : i32
        %add3A_555 = arith.addi %add3A_554, %mul3A_553 : i32
        %add3A_556 = arith.constant 1 : i32
        %add3A_557 = arith.addi %add3A_555, %add3A_556 : i32
        %get3A_558 = arith.index_cast %rem3A_224 : i32 to index
        %get3A_559 = arith.index_cast %add3A_557 : i32 to index
        %get3A_560 = arith.constant 96 : index
        %get3A_561 = tpu.vector_load %arg6[%get3A_558, %get3A_559, %get3A_560] {strides = array<i32>} : memref<6x100x128xf32, #tpu.memory_space<vmem>>, vector<1x1x16xf32>,
        %get3A_562 = vector.shape_cast %get3A_561 : vector<1x1x16xf32> to vector<16xf32>
        %add3A_563 = arith.addf %add3A_467, %get3A_562 : vector<16xf32>
        %mul3A_564 = arith.constant 2 : i32
        %mul3A_565 = arith.muli %scan3A_376, %mul3A_564 : i32
        %add3A_566 = arith.constant 0 : i32
        %add3A_567 = arith.addi %add3A_566, %mul3A_565 : i32
        %add3A_568 = arith.constant 1 : i32
        %add3A_569 = arith.addi %add3A_567, %add3A_568 : i32
        %get3A_570 = arith.index_cast %rem3A_224 : i32 to index
        %get3A_571 = arith.index_cast %add3A_569 : i32 to index
        %get3A_572 = arith.constant 112 : index
        %get3A_573 = tpu.vector_load %arg6[%get3A_570, %get3A_571, %get3A_572] {strides = array<i32>} : memref<6x100x128xf32, #tpu.memory_space<vmem>>, vector<1x1x16xf32>,
        %get3A_574 = vector.shape_cast %get3A_573 : vector<1x1x16xf32> to vector<16xf32>
        %add3A_575 = arith.addf %add3A_479, %get3A_574 : vector<16xf32>
        scf.yield %add3A_491, %add3A_503, %add3A_515, %add3A_527, %add3A_539, %add3A_551, %add3A_563, %add3A_575 : vector<16xf32>, vector<16xf32>, vector<16xf32>, vector<16xf32>, vector<16xf32>, vector<16xf32>, vector<16xf32>, vector<16xf32>
      }
      %scan3A_265 = arith.constant 25 : i32
      %mul3A_266 = arith.constant 2 : i32
      %mul3A_267 = arith.muli %add3A_222, %mul3A_266 : i32
      %add3A_268 = arith.constant 0 : i32
      %add3A_269 = arith.addi %mul3A_267, %add3A_268 : i32
      %swap3A_270 = arith.index_cast %add3A_269 : i32 to index
      %swap3A_271 = arith.constant 0 : index
      %swap3A_272 = tpu.vector_load %arg7[%swap3A_270, %swap3A_271] {strides = array<i32>} : memref<128x128xf32, #tpu.memory_space<vmem>>, vector<1x16xf32>,
      %swap3A_273 = vector.shape_cast %swap3A_272 : vector<1x16xf32> to vector<16xf32>
      %swap3A_274 = vector.shape_cast %scan3A_264#0 : vector<16xf32> to vector<1x16xf32>
      tpu.vector_store %arg7[%swap3A_270, %swap3A_271], %swap3A_274 {strides = array<i32>} : memref<128x128xf32, #tpu.memory_space<vmem>>, vector<1x16xf32>,
      %swap3A_275 = arith.index_cast %add3A_269 : i32 to index
      %swap3A_276 = arith.constant 16 : index
      %swap3A_277 = tpu.vector_load %arg7[%swap3A_275, %swap3A_276] {strides = array<i32>} : memref<128x128xf32, #tpu.memory_space<vmem>>, vector<1x16xf32>,
      %swap3A_278 = vector.shape_cast %swap3A_277 : vector<1x16xf32> to vector<16xf32>
      %swap3A_279 = vector.shape_cast %scan3A_264#1 : vector<16xf32> to vector<1x16xf32>
      tpu.vector_store %arg7[%swap3A_275, %swap3A_276], %swap3A_279 {strides = array<i32>} : memref<128x128xf32, #tpu.memory_space<vmem>>, vector<1x16xf32>,
      %swap3A_280 = arith.index_cast %add3A_269 : i32 to index
      %swap3A_281 = arith.constant 32 : index
      %swap3A_282 = tpu.vector_load %arg7[%swap3A_280, %swap3A_281] {strides = array<i32>} : memref<128x128xf32, #tpu.memory_space<vmem>>, vector<1x16xf32>,
      %swap3A_283 = vector.shape_cast %swap3A_282 : vector<1x16xf32> to vector<16xf32>
      %swap3A_284 = vector.shape_cast %scan3A_264#2 : vector<16xf32> to vector<1x16xf32>
      tpu.vector_store %arg7[%swap3A_280, %swap3A_281], %swap3A_284 {strides = array<i32>} : memref<128x128xf32, #tpu.memory_space<vmem>>, vector<1x16xf32>,
      %swap3A_285 = arith.index_cast %add3A_269 : i32 to index
      %swap3A_286 = arith.constant 48 : index
      %swap3A_287 = tpu.vector_load %arg7[%swap3A_285, %swap3A_286] {strides = array<i32>} : memref<128x128xf32, #tpu.memory_space<vmem>>, vector<1x16xf32>,
      %swap3A_288 = vector.shape_cast %swap3A_287 : vector<1x16xf32> to vector<16xf32>
      %swap3A_289 = vector.shape_cast %scan3A_264#3 : vector<16xf32> to vector<1x16xf32>
      tpu.vector_store %arg7[%swap3A_285, %swap3A_286], %swap3A_289 {strides = array<i32>} : memref<128x128xf32, #tpu.memory_space<vmem>>, vector<1x16xf32>,
      %swap3A_290 = arith.index_cast %add3A_269 : i32 to index
      %swap3A_291 = arith.constant 64 : index
      %swap3A_292 = tpu.vector_load %arg7[%swap3A_290, %swap3A_291] {strides = array<i32>} : memref<128x128xf32, #tpu.memory_space<vmem>>, vector<1x16xf32>,
      %swap3A_293 = vector.shape_cast %swap3A_292 : vector<1x16xf32> to vector<16xf32>
      %swap3A_294 = vector.shape_cast %scan3A_264#4 : vector<16xf32> to vector<1x16xf32>
      tpu.vector_store %arg7[%swap3A_290, %swap3A_291], %swap3A_294 {strides = array<i32>} : memref<128x128xf32, #tpu.memory_space<vmem>>, vector<1x16xf32>,
      %swap3A_295 = arith.index_cast %add3A_269 : i32 to index
      %swap3A_296 = arith.constant 80 : index
      %swap3A_297 = tpu.vector_load %arg7[%swap3A_295, %swap3A_296] {strides = array<i32>} : memref<128x128xf32, #tpu.memory_space<vmem>>, vector<1x16xf32>,
      %swap3A_298 = vector.shape_cast %swap3A_297 : vector<1x16xf32> to vector<16xf32>
      %swap3A_299 = vector.shape_cast %scan3A_264#5 : vector<16xf32> to vector<1x16xf32>
      tpu.vector_store %arg7[%swap3A_295, %swap3A_296], %swap3A_299 {strides = array<i32>} : memref<128x128xf32, #tpu.memory_space<vmem>>, vector<1x16xf32>,
      %swap3A_300 = arith.index_cast %add3A_269 : i32 to index
      %swap3A_301 = arith.constant 96 : index
      %swap3A_302 = tpu.vector_load %arg7[%swap3A_300, %swap3A_301] {strides = array<i32>} : memref<128x128xf32, #tpu.memory_space<vmem>>, vector<1x16xf32>,
      %swap3A_303 = vector.shape_cast %swap3A_302 : vector<1x16xf32> to vector<16xf32>
      %swap3A_304 = vector.shape_cast %scan3A_264#6 : vector<16xf32> to vector<1x16xf32>
      tpu.vector_store %arg7[%swap3A_300, %swap3A_301], %swap3A_304 {strides = array<i32>} : memref<128x128xf32, #tpu.memory_space<vmem>>, vector<1x16xf32>,
      %swap3A_305 = arith.index_cast %add3A_269 : i32 to index
      %swap3A_306 = arith.constant 112 : index
      %swap3A_307 = tpu.vector_load %arg7[%swap3A_305, %swap3A_306] {strides = array<i32>} : memref<128x128xf32, #tpu.memory_space<vmem>>, vector<1x16xf32>,
      %swap3A_308 = vector.shape_cast %swap3A_307 : vector<1x16xf32> to vector<16xf32>
      %swap3A_309 = vector.shape_cast %scan3A_264#7 : vector<16xf32> to vector<1x16xf32>
      tpu.vector_store %arg7[%swap3A_305, %swap3A_306], %swap3A_309 {strides = array<i32>} : memref<128x128xf32, #tpu.memory_space<vmem>>, vector<1x16xf32>,
      %broadcast_in_dim3A_310 = arith.constant 0.000000e+00 : f32
      %broadcast_in_dim3A_311 = vector.broadcast %broadcast_in_dim3A_310 : f32 to vector<16xf32>
      %broadcast_in_dim3A_312 = arith.constant 0.000000e+00 : f32
      %broadcast_in_dim3A_313 = vector.broadcast %broadcast_in_dim3A_312 : f32 to vector<16xf32>
      %broadcast_in_dim3A_314 = arith.constant 0.000000e+00 : f32
      %broadcast_in_dim3A_315 = vector.broadcast %broadcast_in_dim3A_314 : f32 to vector<16xf32>
      %broadcast_in_dim3A_316 = arith.constant 0.000000e+00 : f32
      %broadcast_in_dim3A_317 = vector.broadcast %broadcast_in_dim3A_316 : f32 to vector<16xf32>
      %broadcast_in_dim3A_318 = arith.constant 0.000000e+00 : f32
      %broadcast_in_dim3A_319 = vector.broadcast %broadcast_in_dim3A_318 : f32 to vector<16xf32>
      %broadcast_in_dim3A_320 = arith.constant 0.000000e+00 : f32
      %broadcast_in_dim3A_321 = vector.broadcast %broadcast_in_dim3A_320 : f32 to vector<16xf32>
      %broadcast_in_dim3A_322 = arith.constant 0.000000e+00 : f32
      %broadcast_in_dim3A_323 = vector.broadcast %broadcast_in_dim3A_322 : f32 to vector<16xf32>
      %broadcast_in_dim3A_324 = arith.constant 0.000000e+00 : f32
      %broadcast_in_dim3A_325 = vector.broadcast %broadcast_in_dim3A_324 : f32 to vector<16xf32>
      %scan3A_326 = arith.constant 0 : i32
      %scan3A_327 = arith.constant 25 : i32
      %scan3A_328 = arith.addi %scan3A_326, %scan3A_327 : i32
      %scan3A_329 = arith.constant 1 : i32
      %scan3A_330:8 = scf.for %scan3A_376 = %scan3A_326 to %scan3A_328 step %scan3A_329 iter_args(%scan3A_377 = %broadcast_in_dim3A_311, %scan3A_378 = %broadcast_in_dim3A_313, %scan3A_379 = %broadcast_in_dim3A_315, %scan3A_380 = %broadcast_in_dim3A_317, %scan3A_381 = %broadcast_in_dim3A_319, %scan3A_382 = %broadcast_in_dim3A_321, %scan3A_383 = %broadcast_in_dim3A_323, %scan3A_384 = %broadcast_in_dim3A_325) -> (vector<16xf32>, vector<16xf32>, vector<16xf32>, vector<16xf32>, vector<16xf32>, vector<16xf32>, vector<16xf32>, vector<16xf32>)  : i32 {
        %mul3A_385 = arith.constant 2 : i32
        %mul3A_386 = arith.muli %scan3A_376, %mul3A_385 : i32
        %add3A_387 = arith.constant 50 : i32
        %add3A_388 = arith.addi %add3A_387, %mul3A_386 : i32
        %add3A_389 = arith.constant 0 : i32
        %add3A_390 = arith.addi %add3A_388, %add3A_389 : i32
        %get3A = arith.index_cast %rem3A_224 : i32 to index
        %get3A_391 = arith.index_cast %add3A_390 : i32 to index
        %get3A_392 = arith.constant 0 : index
        %get3A_393 = tpu.vector_load %arg6[%get3A, %get3A_391, %get3A_392] {strides = array<i32>} : memref<6x100x128xf32, #tpu.memory_space<vmem>>, vector<1x1x16xf32>,
        %get3A_394 = vector.shape_cast %get3A_393 : vector<1x1x16xf32> to vector<16xf32>
        %add3A_395 = arith.addf %scan3A_377, %get3A_394 : vector<16xf32>
        %mul3A_396 = arith.constant 2 : i32
        %mul3A_397 = arith.muli %scan3A_376, %mul3A_396 : i32
        %add3A_398 = arith.constant 50 : i32
        %add3A_399 = arith.addi %add3A_398, %mul3A_397 : i32
        %add3A_400 = arith.constant 0 : i32
        %add3A_401 = arith.addi %add3A_399, %add3A_400 : i32
        %get3A_402 = arith.index_cast %rem3A_224 : i32 to index
        %get3A_403 = arith.index_cast %add3A_401 : i32 to index
        %get3A_404 = arith.constant 16 : index
        %get3A_405 = tpu.vector_load %arg6[%get3A_402, %get3A_403, %get3A_404] {strides = array<i32>} : memref<6x100x128xf32, #tpu.memory_space<vmem>>, vector<1x1x16xf32>,
        %get3A_406 = vector.shape_cast %get3A_405 : vector<1x1x16xf32> to vector<16xf32>
        %add3A_407 = arith.addf %scan3A_378, %get3A_406 : vector<16xf32>
        %mul3A_408 = arith.constant 2 : i32
        %mul3A_409 = arith.muli %scan3A_376, %mul3A_408 : i32
        %add3A_410 = arith.constant 50 : i32
        %add3A_411 = arith.addi %add3A_410, %mul3A_409 : i32
        %add3A_412 = arith.constant 0 : i32
        %add3A_413 = arith.addi %add3A_411, %add3A_412 : i32
        %get3A_414 = arith.index_cast %rem3A_224 : i32 to index
        %get3A_415 = arith.index_cast %add3A_413 : i32 to index
        %get3A_416 = arith.constant 32 : index
        %get3A_417 = tpu.vector_load %arg6[%get3A_414, %get3A_415, %get3A_416] {strides = array<i32>} : memref<6x100x128xf32, #tpu.memory_space<vmem>>, vector<1x1x16xf32>,
        %get3A_418 = vector.shape_cast %get3A_417 : vector<1x1x16xf32> to vector<16xf32>
        %add3A_419 = arith.addf %scan3A_379, %get3A_418 : vector<16xf32>
        %mul3A_420 = arith.constant 2 : i32
        %mul3A_421 = arith.muli %scan3A_376, %mul3A_420 : i32
        %add3A_422 = arith.constant 50 : i32
        %add3A_423 = arith.addi %add3A_422, %mul3A_421 : i32
        %add3A_424 = arith.constant 0 : i32
        %add3A_425 = arith.addi %add3A_423, %add3A_424 : i32
        %get3A_426 = arith.index_cast %rem3A_224 : i32 to index
        %get3A_427 = arith.index_cast %add3A_425 : i32 to index
        %get3A_428 = arith.constant 48 : index
        %get3A_429 = tpu.vector_load %arg6[%get3A_426, %get3A_427, %get3A_428] {strides = array<i32>} : memref<6x100x128xf32, #tpu.memory_space<vmem>>, vector<1x1x16xf32>,
        %get3A_430 = vector.shape_cast %get3A_429 : vector<1x1x16xf32> to vector<16xf32>
        %add3A_431 = arith.addf %scan3A_380, %get3A_430 : vector<16xf32>
        %mul3A_432 = arith.constant 2 : i32
        %mul3A_433 = arith.muli %scan3A_376, %mul3A_432 : i32
        %add3A_434 = arith.constant 50 : i32
        %add3A_435 = arith.addi %add3A_434, %mul3A_433 : i32
        %add3A_436 = arith.constant 0 : i32
        %add3A_437 = arith.addi %add3A_435, %add3A_436 : i32
        %get3A_438 = arith.index_cast %rem3A_224 : i32 to index
        %get3A_439 = arith.index_cast %add3A_437 : i32 to index
        %get3A_440 = arith.constant 64 : index
        %get3A_441 = tpu.vector_load %arg6[%get3A_438, %get3A_439, %get3A_440] {strides = array<i32>} : memref<6x100x128xf32, #tpu.memory_space<vmem>>, vector<1x1x16xf32>,
        %get3A_442 = vector.shape_cast %get3A_441 : vector<1x1x16xf32> to vector<16xf32>
        %add3A_443 = arith.addf %scan3A_381, %get3A_442 : vector<16xf32>
        %mul3A_444 = arith.constant 2 : i32
        %mul3A_445 = arith.muli %scan3A_376, %mul3A_444 : i32
        %add3A_446 = arith.constant 50 : i32
        %add3A_447 = arith.addi %add3A_446, %mul3A_445 : i32
        %add3A_448 = arith.constant 0 : i32
        %add3A_449 = arith.addi %add3A_447, %add3A_448 : i32
        %get3A_450 = arith.index_cast %rem3A_224 : i32 to index
        %get3A_451 = arith.index_cast %add3A_449 : i32 to index
        %get3A_452 = arith.constant 80 : index
        %get3A_453 = tpu.vector_load %arg6[%get3A_450, %get3A_451, %get3A_452] {strides = array<i32>} : memref<6x100x128xf32, #tpu.memory_space<vmem>>, vector<1x1x16xf32>,
        %get3A_454 = vector.shape_cast %get3A_453 : vector<1x1x16xf32> to vector<16xf32>
        %add3A_455 = arith.addf %scan3A_382, %get3A_454 : vector<16xf32>
        %mul3A_456 = arith.constant 2 : i32
        %mul3A_457 = arith.muli %scan3A_376, %mul3A_456 : i32
        %add3A_458 = arith.constant 50 : i32
        %add3A_459 = arith.addi %add3A_458, %mul3A_457 : i32
        %add3A_460 = arith.constant 0 : i32
        %add3A_461 = arith.addi %add3A_459, %add3A_460 : i32
        %get3A_462 = arith.index_cast %rem3A_224 : i32 to index
        %get3A_463 = arith.index_cast %add3A_461 : i32 to index
        %get3A_464 = arith.constant 96 : index
        %get3A_465 = tpu.vector_load %arg6[%get3A_462, %get3A_463, %get3A_464] {strides = array<i32>} : memref<6x100x128xf32, #tpu.memory_space<vmem>>, vector<1x1x16xf32>,
        %get3A_466 = vector.shape_cast %get3A_465 : vector<1x1x16xf32> to vector<16xf32>
        %add3A_467 = arith.addf %scan3A_383, %get3A_466 : vector<16xf32>
        %mul3A_468 = arith.constant 2 : i32
        %mul3A_469 = arith.muli %scan3A_376, %mul3A_468 : i32
        %add3A_470 = arith.constant 50 : i32
        %add3A_471 = arith.addi %add3A_470, %mul3A_469 : i32
        %add3A_472 = arith.constant 0 : i32
        %add3A_473 = arith.addi %add3A_471, %add3A_472 : i32
        %get3A_474 = arith.index_cast %rem3A_224 : i32 to index
        %get3A_475 = arith.index_cast %add3A_473 : i32 to index
        %get3A_476 = arith.constant 112 : index
        %get3A_477 = tpu.vector_load %arg6[%get3A_474, %get3A_475, %get3A_476] {strides = array<i32>} : memref<6x100x128xf32, #tpu.memory_space<vmem>>, vector<1x1x16xf32>,
        %get3A_478 = vector.shape_cast %get3A_477 : vector<1x1x16xf32> to vector<16xf32>
        %add3A_479 = arith.addf %scan3A_384, %get3A_478 : vector<16xf32>
        %mul3A_480 = arith.constant 2 : i32
        %mul3A_481 = arith.muli %scan3A_376, %mul3A_480 : i32
        %add3A_482 = arith.constant 50 : i32
        %add3A_483 = arith.addi %add3A_482, %mul3A_481 : i32
        %add3A_484 = arith.constant 1 : i32
        %add3A_485 = arith.addi %add3A_483, %add3A_484 : i32
        %get3A_486 = arith.index_cast %rem3A_224 : i32 to index
        %get3A_487 = arith.index_cast %add3A_485 : i32 to index
        %get3A_488 = arith.constant 0 : index
        %get3A_489 = tpu.vector_load %arg6[%get3A_486, %get3A_487, %get3A_488] {strides = array<i32>} : memref<6x100x128xf32, #tpu.memory_space<vmem>>, vector<1x1x16xf32>,
        %get3A_490 = vector.shape_cast %get3A_489 : vector<1x1x16xf32> to vector<16xf32>
        %add3A_491 = arith.addf %add3A_395, %get3A_490 : vector<16xf32>
        %mul3A_492 = arith.constant 2 : i32
        %mul3A_493 = arith.muli %scan3A_376, %mul3A_492 : i32
        %add3A_494 = arith.constant 50 : i32
        %add3A_495 = arith.addi %add3A_494, %mul3A_493 : i32
        %add3A_496 = arith.constant 1 : i32
        %add3A_497 = arith.addi %add3A_495, %add3A_496 : i32
        %get3A_498 = arith.index_cast %rem3A_224 : i32 to index
        %get3A_499 = arith.index_cast %add3A_497 : i32 to index
        %get3A_500 = arith.constant 16 : index
        %get3A_501 = tpu.vector_load %arg6[%get3A_498, %get3A_499, %get3A_500] {strides = array<i32>} : memref<6x100x128xf32, #tpu.memory_space<vmem>>, vector<1x1x16xf32>,
        %get3A_502 = vector.shape_cast %get3A_501 : vector<1x1x16xf32> to vector<16xf32>
        %add3A_503 = arith.addf %add3A_407, %get3A_502 : vector<16xf32>
        %mul3A_504 = arith.constant 2 : i32
        %mul3A_505 = arith.muli %scan3A_376, %mul3A_504 : i32
        %add3A_506 = arith.constant 50 : i32
        %add3A_507 = arith.addi %add3A_506, %mul3A_505 : i32
        %add3A_508 = arith.constant 1 : i32
        %add3A_509 = arith.addi %add3A_507, %add3A_508 : i32
        %get3A_510 = arith.index_cast %rem3A_224 : i32 to index
        %get3A_511 = arith.index_cast %add3A_509 : i32 to index
        %get3A_512 = arith.constant 32 : index
        %get3A_513 = tpu.vector_load %arg6[%get3A_510, %get3A_511, %get3A_512] {strides = array<i32>} : memref<6x100x128xf32, #tpu.memory_space<vmem>>, vector<1x1x16xf32>,
        %get3A_514 = vector.shape_cast %get3A_513 : vector<1x1x16xf32> to vector<16xf32>
        %add3A_515 = arith.addf %add3A_419, %get3A_514 : vector<16xf32>
        %mul3A_516 = arith.constant 2 : i32
        %mul3A_517 = arith.muli %scan3A_376, %mul3A_516 : i32
        %add3A_518 = arith.constant 50 : i32
        %add3A_519 = arith.addi %add3A_518, %mul3A_517 : i32
        %add3A_520 = arith.constant 1 : i32
        %add3A_521 = arith.addi %add3A_519, %add3A_520 : i32
        %get3A_522 = arith.index_cast %rem3A_224 : i32 to index
        %get3A_523 = arith.index_cast %add3A_521 : i32 to index
        %get3A_524 = arith.constant 48 : index
        %get3A_525 = tpu.vector_load %arg6[%get3A_522, %get3A_523, %get3A_524] {strides = array<i32>} : memref<6x100x128xf32, #tpu.memory_space<vmem>>, vector<1x1x16xf32>,
        %get3A_526 = vector.shape_cast %get3A_525 : vector<1x1x16xf32> to vector<16xf32>
        %add3A_527 = arith.addf %add3A_431, %get3A_526 : vector<16xf32>
        %mul3A_528 = arith.constant 2 : i32
        %mul3A_529 = arith.muli %scan3A_376, %mul3A_528 : i32
        %add3A_530 = arith.constant 50 : i32
        %add3A_531 = arith.addi %add3A_530, %mul3A_529 : i32
        %add3A_532 = arith.constant 1 : i32
        %add3A_533 = arith.addi %add3A_531, %add3A_532 : i32
        %get3A_534 = arith.index_cast %rem3A_224 : i32 to index
        %get3A_535 = arith.index_cast %add3A_533 : i32 to index
        %get3A_536 = arith.constant 64 : index
        %get3A_537 = tpu.vector_load %arg6[%get3A_534, %get3A_535, %get3A_536] {strides = array<i32>} : memref<6x100x128xf32, #tpu.memory_space<vmem>>, vector<1x1x16xf32>,
        %get3A_538 = vector.shape_cast %get3A_537 : vector<1x1x16xf32> to vector<16xf32>
        %add3A_539 = arith.addf %add3A_443, %get3A_538 : vector<16xf32>
        %mul3A_540 = arith.constant 2 : i32
        %mul3A_541 = arith.muli %scan3A_376, %mul3A_540 : i32
        %add3A_542 = arith.constant 50 : i32
        %add3A_543 = arith.addi %add3A_542, %mul3A_541 : i32
        %add3A_544 = arith.constant 1 : i32
        %add3A_545 = arith.addi %add3A_543, %add3A_544 : i32
        %get3A_546 = arith.index_cast %rem3A_224 : i32 to index
        %get3A_547 = arith.index_cast %add3A_545 : i32 to index
        %get3A_548 = arith.constant 80 : index
        %get3A_549 = tpu.vector_load %arg6[%get3A_546, %get3A_547, %get3A_548] {strides = array<i32>} : memref<6x100x128xf32, #tpu.memory_space<vmem>>, vector<1x1x16xf32>,
        %get3A_550 = vector.shape_cast %get3A_549 : vector<1x1x16xf32> to vector<16xf32>
        %add3A_551 = arith.addf %add3A_455, %get3A_550 : vector<16xf32>
        %mul3A_552 = arith.constant 2 : i32
        %mul3A_553 = arith.muli %scan3A_376, %mul3A_552 : i32
        %add3A_554 = arith.constant 50 : i32
        %add3A_555 = arith.addi %add3A_554, %mul3A_553 : i32
        %add3A_556 = arith.constant 1 : i32
        %add3A_557 = arith.addi %add3A_555, %add3A_556 : i32
        %get3A_558 = arith.index_cast %rem3A_224 : i32 to index
        %get3A_559 = arith.index_cast %add3A_557 : i32 to index
        %get3A_560 = arith.constant 96 : index
        %get3A_561 = tpu.vector_load %arg6[%get3A_558, %get3A_559, %get3A_560] {strides = array<i32>} : memref<6x100x128xf32, #tpu.memory_space<vmem>>, vector<1x1x16xf32>,
        %get3A_562 = vector.shape_cast %get3A_561 : vector<1x1x16xf32> to vector<16xf32>
        %add3A_563 = arith.addf %add3A_467, %get3A_562 : vector<16xf32>
        %mul3A_564 = arith.constant 2 : i32
        %mul3A_565 = arith.muli %scan3A_376, %mul3A_564 : i32
        %add3A_566 = arith.constant 50 : i32
        %add3A_567 = arith.addi %add3A_566, %mul3A_565 : i32
        %add3A_568 = arith.constant 1 : i32
        %add3A_569 = arith.addi %add3A_567, %add3A_568 : i32
        %get3A_570 = arith.index_cast %rem3A_224 : i32 to index
        %get3A_571 = arith.index_cast %add3A_569 : i32 to index
        %get3A_572 = arith.constant 112 : index
        %get3A_573 = tpu.vector_load %arg6[%get3A_570, %get3A_571, %get3A_572] {strides = array<i32>} : memref<6x100x128xf32, #tpu.memory_space<vmem>>, vector<1x1x16xf32>,
        %get3A_574 = vector.shape_cast %get3A_573 : vector<1x1x16xf32> to vector<16xf32>
        %add3A_575 = arith.addf %add3A_479, %get3A_574 : vector<16xf32>
        scf.yield %add3A_491, %add3A_503, %add3A_515, %add3A_527, %add3A_539, %add3A_551, %add3A_563, %add3A_575 : vector<16xf32>, vector<16xf32>, vector<16xf32>, vector<16xf32>, vector<16xf32>, vector<16xf32>, vector<16xf32>, vector<16xf32>
      }
      %scan3A_331 = arith.constant 25 : i32
      %mul3A_332 = arith.constant 2 : i32
      %mul3A_333 = arith.muli %add3A_222, %mul3A_332 : i32
      %add3A_334 = arith.constant 1 : i32
      %add3A_335 = arith.addi %mul3A_333, %add3A_334 : i32
      %swap3A_336 = arith.index_cast %add3A_335 : i32 to index
      %swap3A_337 = arith.constant 0 : index
      %swap3A_338 = tpu.vector_load %arg7[%swap3A_336, %swap3A_337] {strides = array<i32>} : memref<128x128xf32, #tpu.memory_space<vmem>>, vector<1x16xf32>,
      %swap3A_339 = vector.shape_cast %swap3A_338 : vector<1x16xf32> to vector<16xf32>
      %swap3A_340 = vector.shape_cast %scan3A_330#0 : vector<16xf32> to vector<1x16xf32>
      tpu.vector_store %arg7[%swap3A_336, %swap3A_337], %swap3A_340 {strides = array<i32>} : memref<128x128xf32, #tpu.memory_space<vmem>>, vector<1x16xf32>,
      %swap3A_341 = arith.index_cast %add3A_335 : i32 to index
      %swap3A_342 = arith.constant 16 : index
      %swap3A_343 = tpu.vector_load %arg7[%swap3A_341, %swap3A_342] {strides = array<i32>} : memref<128x128xf32, #tpu.memory_space<vmem>>, vector<1x16xf32>,
      %swap3A_344 = vector.shape_cast %swap3A_343 : vector<1x16xf32> to vector<16xf32>
      %swap3A_345 = vector.shape_cast %scan3A_330#1 : vector<16xf32> to vector<1x16xf32>
      tpu.vector_store %arg7[%swap3A_341, %swap3A_342], %swap3A_345 {strides = array<i32>} : memref<128x128xf32, #tpu.memory_space<vmem>>, vector<1x16xf32>,
      %swap3A_346 = arith.index_cast %add3A_335 : i32 to index
      %swap3A_347 = arith.constant 32 : index
      %swap3A_348 = tpu.vector_load %arg7[%swap3A_346, %swap3A_347] {strides = array<i32>} : memref<128x128xf32, #tpu.memory_space<vmem>>, vector<1x16xf32>,
      %swap3A_349 = vector.shape_cast %swap3A_348 : vector<1x16xf32> to vector<16xf32>
      %swap3A_350 = vector.shape_cast %scan3A_330#2 : vector<16xf32> to vector<1x16xf32>
      tpu.vector_store %arg7[%swap3A_346, %swap3A_347], %swap3A_350 {strides = array<i32>} : memref<128x128xf32, #tpu.memory_space<vmem>>, vector<1x16xf32>,
      %swap3A_351 = arith.index_cast %add3A_335 : i32 to index
      %swap3A_352 = arith.constant 48 : index
      %swap3A_353 = tpu.vector_load %arg7[%swap3A_351, %swap3A_352] {strides = array<i32>} : memref<128x128xf32, #tpu.memory_space<vmem>>, vector<1x16xf32>,
      %swap3A_354 = vector.shape_cast %swap3A_353 : vector<1x16xf32> to vector<16xf32>
      %swap3A_355 = vector.shape_cast %scan3A_330#3 : vector<16xf32> to vector<1x16xf32>
      tpu.vector_store %arg7[%swap3A_351, %swap3A_352], %swap3A_355 {strides = array<i32>} : memref<128x128xf32, #tpu.memory_space<vmem>>, vector<1x16xf32>,
      %swap3A_356 = arith.index_cast %add3A_335 : i32 to index
      %swap3A_357 = arith.constant 64 : index
      %swap3A_358 = tpu.vector_load %arg7[%swap3A_356, %swap3A_357] {strides = array<i32>} : memref<128x128xf32, #tpu.memory_space<vmem>>, vector<1x16xf32>,
      %swap3A_359 = vector.shape_cast %swap3A_358 : vector<1x16xf32> to vector<16xf32>
      %swap3A_360 = vector.shape_cast %scan3A_330#4 : vector<16xf32> to vector<1x16xf32>
      tpu.vector_store %arg7[%swap3A_356, %swap3A_357], %swap3A_360 {strides = array<i32>} : memref<128x128xf32, #tpu.memory_space<vmem>>, vector<1x16xf32>,
      %swap3A_361 = arith.index_cast %add3A_335 : i32 to index
      %swap3A_362 = arith.constant 80 : index
      %swap3A_363 = tpu.vector_load %arg7[%swap3A_361, %swap3A_362] {strides = array<i32>} : memref<128x128xf32, #tpu.memory_space<vmem>>, vector<1x16xf32>,
      %swap3A_364 = vector.shape_cast %swap3A_363 : vector<1x16xf32> to vector<16xf32>
      %swap3A_365 = vector.shape_cast %scan3A_330#5 : vector<16xf32> to vector<1x16xf32>
      tpu.vector_store %arg7[%swap3A_361, %swap3A_362], %swap3A_365 {strides = array<i32>} : memref<128x128xf32, #tpu.memory_space<vmem>>, vector<1x16xf32>,
      %swap3A_366 = arith.index_cast %add3A_335 : i32 to index
      %swap3A_367 = arith.constant 96 : index
      %swap3A_368 = tpu.vector_load %arg7[%swap3A_366, %swap3A_367] {strides = array<i32>} : memref<128x128xf32, #tpu.memory_space<vmem>>, vector<1x16xf32>,
      %swap3A_369 = vector.shape_cast %swap3A_368 : vector<1x16xf32> to vector<16xf32>
      %swap3A_370 = vector.shape_cast %scan3A_330#6 : vector<16xf32> to vector<1x16xf32>
      tpu.vector_store %arg7[%swap3A_366, %swap3A_367], %swap3A_370 {strides = array<i32>} : memref<128x128xf32, #tpu.memory_space<vmem>>, vector<1x16xf32>,
      %swap3A_371 = arith.index_cast %add3A_335 : i32 to index
      %swap3A_372 = arith.constant 112 : index
      %swap3A_373 = tpu.vector_load %arg7[%swap3A_371, %swap3A_372] {strides = array<i32>} : memref<128x128xf32, #tpu.memory_space<vmem>>, vector<1x16xf32>,
      %swap3A_374 = vector.shape_cast %swap3A_373 : vector<1x16xf32> to vector<16xf32>
      %swap3A_375 = vector.shape_cast %scan3A_330#7 : vector<16xf32> to vector<1x16xf32>
      tpu.vector_store %arg7[%swap3A_371, %swap3A_372], %swap3A_375 {strides = array<i32>} : memref<128x128xf32, #tpu.memory_space<vmem>>, vector<1x16xf32>,
    }
    %scan3A_66 = arith.constant 32 : i32
    %mul3A_67 = arith.constant 128 : i32
    %mul3A_68 = arith.muli %add3A, %mul3A_67 : i32
    "tpu.region"() ({
      %run_scoped3A = tpu.sem_alloc : memref<!tpu.dma_semaphore, #tpu.memory_space<semaphore_mem>>
      %dma_start3A_69 = arith.constant 0 : i32
      %dma_start3A_70 = tpu.memref_slice %arg4[%mul3A_68, %dma_start3A_69] : memref<4096x128xf32, #tpu.memory_space<hbm>> -> memref<128x128xf32, #tpu.memory_space<hbm>>
      %dma_start3A_71 = arith.constant 0 : i32
      %dma_start3A_72 = tpu.memref_slice %arg4[%mul3A_68, %dma_start3A_71] : memref<4096x128xf32, #tpu.memory_space<hbm>> -> memref<128x128xf32, #tpu.memory_space<hbm>>
      tpu.enqueue_dma source(%arg7 : memref<128x128xf32, #tpu.memory_space<vmem>>) target(%dma_start3A_72 : memref<128x128xf32, #tpu.memory_space<hbm>>) target_semaphore(%run_scoped3A : memref<!tpu.dma_semaphore, #tpu.memory_space<semaphore_mem>>)
      %dma_wait3A = arith.constant 0 : i32
      %dma_wait3A_73 = tpu.memref_slice %arg4[%mul3A_68, %dma_wait3A] : memref<4096x128xf32, #tpu.memory_space<hbm>> -> memref<128x128xf32, #tpu.memory_space<hbm>>
      %dma_wait3A_74 = arith.constant 0 : i32
      %dma_wait3A_75 = tpu.memref_slice %arg4[%mul3A_68, %dma_wait3A_74] : memref<4096x128xf32, #tpu.memory_space<hbm>> -> memref<128x128xf32, #tpu.memory_space<hbm>>
      tpu.wait_dma2 semaphore(%run_scoped3A : memref<!tpu.dma_semaphore, #tpu.memory_space<semaphore_mem>>) src(%arg7 : memref<128x128xf32, #tpu.memory_space<vmem>>) dst(%dma_wait3A_75 : memref<128x128xf32, #tpu.memory_space<hbm>>)
      tpu.yield
    }) : () -> ()
    return
  }
}

module attributes {stable_mosaic.version = 14 : i64} {
  func.func @_t3_body(%arg0: i32, %arg1: memref<64x4096xf32, #tpu.memory_space<vmem>>, %arg2: memref<64x128xf32, #tpu.memory_space<vmem>>, %arg3: memref<1x128xf32, #tpu.memory_space<vmem>>, %arg4: memref<4096x128xf32, #tpu.memory_space<vmem>>) attributes {dimension_semantics = [#tpu.dimension_semantics<arbitrary>], iteration_bounds = array<i64: 25>, scalar_prefetch = 0 : i64, scratch_operands = 0 : i64, tpu.core_type = #tpu.core_type<tc>, window_params = [{transform_indices = @transform_0, window_bounds = array<i64: 64, 4096>}, {pipeline_mode = #tpu.pipeline_mode<synchronous>, transform_indices = @transform_1, window_bounds = array<i64: 64, 128>}, {pipeline_mode = #tpu.pipeline_mode<synchronous>, transform_indices = @transform_2, window_bounds = array<i64: 1, 128>}, {transform_indices = @transform_3, window_bounds = array<i64: 4096, 128>}]} {
    %get3A = arith.constant 0 : index
    %get3A_0 = arith.constant 0 : index
    %get3A_1 = vector.load %arg1[%get3A, %get3A_0] : memref<64x4096xf32, #tpu.memory_space<vmem>>, vector<64x4096xf32>
    %transpose3A = tpu.transpose %get3A_1, [1, 0] : vector<64x4096xf32> -> vector<4096x64xf32>
    %max3A = arith.constant 0.000000e+00 : f32
    %max3A_2 = vector.broadcast %max3A : f32 to vector<4096x64xf32>
    %max3A_3 = arith.maximumf %transpose3A, %max3A_2 : vector<4096x64xf32>
    %get3A_4 = arith.constant 0 : index
    %get3A_5 = arith.constant 0 : index
    %get3A_6 = vector.load %arg2[%get3A_4, %get3A_5] : memref<64x128xf32, #tpu.memory_space<vmem>>, vector<64x128xf32>
    %dot_general3A = arith.constant dense<0.000000e+00> : vector<4096x128xf32>
    %dot_general3A_7 = tpu.matmul %max3A_3, %get3A_6, %dot_general3A {dimension_numbers = #tpu.dot_dimension_numbers<[1], [0], [0], [1], [0, 0, 1, 1], [], []>, transpose_lhs_hint = false} : vector<4096x64xf32>, vector<64x128xf32>, vector<4096x128xf32> -> vector<4096x128xf32>
    %get3A_8 = arith.constant 0 : index
    %get3A_9 = arith.constant 0 : index
    %get3A_10 = vector.load %arg3[%get3A_8, %get3A_9] : memref<1x128xf32, #tpu.memory_space<vmem>>, vector<1x128xf32>
    %add3A = vector.broadcast %get3A_10 : vector<1x128xf32> to vector<4096x128xf32>
    %add3A_11 = arith.addf %dot_general3A_7, %add3A : vector<4096x128xf32>
    %max3A_12 = arith.constant 0.000000e+00 : f32
    %max3A_13 = vector.broadcast %max3A_12 : f32 to vector<4096x128xf32>
    %max3A_14 = arith.maximumf %add3A_11, %max3A_13 : vector<4096x128xf32>
    %swap3A = arith.constant 0 : index
    %swap3A_15 = arith.constant 0 : index
    %swap3A_16 = vector.load %arg4[%swap3A, %swap3A_15] : memref<4096x128xf32, #tpu.memory_space<vmem>>, vector<4096x128xf32>
    tpu.vector_store %arg4[%swap3A, %swap3A_15], %max3A_14 {strides = array<i32>} : memref<4096x128xf32, #tpu.memory_space<vmem>>, vector<4096x128xf32>,
    return
  }
  func.func @transform_0(%arg0: i32) -> (i32, i32) {
    %c0_i32 = arith.constant 0 : i32
    %c0_i32_0 = arith.constant 0 : i32
    return %c0_i32, %arg0 : i32, i32
  }
  func.func @transform_1(%arg0: i32) -> (i32, i32) {
    %c0_i32 = arith.constant 0 : i32
    %c0_i32_0 = arith.constant 0 : i32
    %c0_i32_1 = arith.constant 0 : i32
    return %c0_i32, %c0_i32_0 : i32, i32
  }
  func.func @transform_2(%arg0: i32) -> (i32, i32) {
    %c0_i32 = arith.constant 0 : i32
    %c0_i32_0 = arith.constant 0 : i32
    %c0_i32_1 = arith.constant 0 : i32
    return %c0_i32, %c0_i32_0 : i32, i32
  }
  func.func @transform_3(%arg0: i32) -> (i32, i32) {
    %c0_i32 = arith.constant 0 : i32
    %c0_i32_0 = arith.constant 0 : i32
    return %arg0, %c0_i32 : i32, i32
  }
}

module attributes {stable_mosaic.version = 14 : i64} {
  func.func @_head_body(%arg0: memref<4096x128xf32, #tpu.memory_space<vmem>>, %arg1: memref<128x128xf32, #tpu.memory_space<vmem>>, %arg2: memref<1x128xf32, #tpu.memory_space<vmem>>, %arg3: memref<1x128xf32, #tpu.memory_space<vmem>>, %arg4: memref<1x1xf32, #tpu.memory_space<vmem>>, %arg5: memref<4096x1xf32, #tpu.memory_space<vmem>>) attributes {dimension_semantics = [], scalar_prefetch = 0 : i64, scratch_operands = 0 : i64, tpu.core_type = #tpu.core_type<tc>} {
    %get3A = arith.constant 0 : index
    %get3A_0 = arith.constant 0 : index
    %get3A_1 = vector.load %arg0[%get3A, %get3A_0] : memref<4096x128xf32, #tpu.memory_space<vmem>>, vector<4096x128xf32>
    %get3A_2 = arith.constant 0 : index
    %get3A_3 = arith.constant 0 : index
    %get3A_4 = vector.load %arg1[%get3A_2, %get3A_3] : memref<128x128xf32, #tpu.memory_space<vmem>>, vector<128x128xf32>
    %dot_general3A = arith.constant dense<0.000000e+00> : vector<4096x128xf32>
    %dot_general3A_5 = tpu.matmul %get3A_1, %get3A_4, %dot_general3A {dimension_numbers = #tpu.dot_dimension_numbers<[1], [0], [0], [1], [0, 0, 1, 1], [], []>, transpose_lhs_hint = false} : vector<4096x128xf32>, vector<128x128xf32>, vector<4096x128xf32> -> vector<4096x128xf32>
    %get3A_6 = arith.constant 0 : index
    %get3A_7 = arith.constant 0 : index
    %get3A_8 = vector.load %arg2[%get3A_6, %get3A_7] : memref<1x128xf32, #tpu.memory_space<vmem>>, vector<1x128xf32>
    %add3A = vector.broadcast %get3A_8 : vector<1x128xf32> to vector<4096x128xf32>
    %add3A_9 = arith.addf %dot_general3A_5, %add3A : vector<4096x128xf32>
    %max3A = arith.constant 0.000000e+00 : f32
    %max3A_10 = vector.broadcast %max3A : f32 to vector<4096x128xf32>
    %max3A_11 = arith.maximumf %add3A_9, %max3A_10 : vector<4096x128xf32>
    %get3A_12 = arith.constant 0 : index
    %get3A_13 = arith.constant 0 : index
    %get3A_14 = vector.load %arg3[%get3A_12, %get3A_13] : memref<1x128xf32, #tpu.memory_space<vmem>>, vector<1x128xf32>
    %mul3A = vector.broadcast %get3A_14 : vector<1x128xf32> to vector<4096x128xf32>
    %mul3A_15 = arith.mulf %max3A_11, %mul3A : vector<4096x128xf32>
    %reduce_sum3A = arith.constant dense<0.000000e+00> : vector<4096xf32>
    %reduce_sum3A_16 = vector.multi_reduction <add>, %mul3A_15, %reduce_sum3A [1] : vector<4096x128xf32> to vector<4096xf32>
    %broadcast_in_dim3A = vector.shape_cast %reduce_sum3A_16 : vector<4096xf32> to vector<4096x1xf32>
    %get3A_17 = arith.constant 0 : index
    %get3A_18 = arith.constant 0 : index
    %get3A_19 = vector.load %arg4[%get3A_17, %get3A_18] : memref<1x1xf32, #tpu.memory_space<vmem>>, vector<1x1xf32>
    %add3A_20 = vector.broadcast %get3A_19 : vector<1x1xf32> to vector<4096x1xf32>
    %add3A_21 = arith.addf %broadcast_in_dim3A, %add3A_20 : vector<4096x1xf32>
    %swap3A = arith.constant 0 : index
    %swap3A_22 = arith.constant 0 : index
    %swap3A_23 = vector.load %arg5[%swap3A, %swap3A_22] : memref<4096x1xf32, #tpu.memory_space<vmem>>, vector<4096x1xf32>
    tpu.vector_store %arg5[%swap3A, %swap3A_22], %add3A_21 {strides = array<i32>} : memref<4096x1xf32, #tpu.memory_space<vmem>>, vector<4096x1xf32>,
    return
  }
}

</mosaic_0001>

<sc_bundles>
// kernel: kernel.5.cloned.1.call-start
scs
__scs_entry_jumppad:
0x0: {  	(pc) =	sbr.rel $0x88, $3  }
0x1: {  	(tag) =	ssettag $0x0;
	lr =	simm.s32 $0x1  }
0x2: {  	[smem:$0x3F99] =	sst lr;
	_ =	strace $0xD0000000  }
0x3: {  	_ = 	snop  }
0x4: {  	_ = 	snop  }
0x5: {  	_ = 	snop  }
0x6: {  	_ = 	snop  }
0x7: {  	_ = 	snop  }
__scs_overlays_trampoline_lowered:
0x8: {  	[smem:$0x3FA8] =	sst s0  }
0x9: {  	[smem:$0x3FA9] =	sst s1  }
0xa: {  	[smem:$0x3FAA] =	sst s2  }
0xb: {  	[smem:$0x3FAB] =	sst s3  }
0xc: {  	[smem:$0x3FAC] =	sst s4  }
0xd: {  	[smem:$0x3FAD] =	sst s5  }
0xe: {  	[smem:$0x3FAE] =	sst s6  }
0xf: {  	[smem:$0x3FAF] =	sst s7  }
0x10: {  	[smem:$0x3FB0] =	sst s8  }
0x11: {  	[smem:$0x3FB1] =	sst s9;
	s0 =	simm.s32 @!p0 $0x0  }
0x12: {  	s1 =	sld [smem:$0x3F97];
	s0 =	simm.s32 @p0 $0x1  }
0x13: {  	[smem:$0x3FB2] =	sst s0;
	s0 =	simm.s32 @!p1 $0x0  }
0x14: {  	s2 =	sld [smem:$0x3F96];
	s0 =	simm.s32 @p1 $0x1  }
0x15: {  	[smem:$0x3FB3] =	sst s0;
	s0 =	simm.s32 @!p2 $0x0  }
0x16: {  	s3 =	sld [smem:$0x3FDB];
	s0 =	simm.s32 @p2 $0x1  }
0x17: {  	s4 =	simm.s32 $0x1BF5;
	[smem:$0x3FB5] =	sst s0  }
0x18: {  	s0 =	sld [smem:$0x3F98];
	_ =	swait.ge [sflag:s4], $0x0  }
0x19: {  	s7 =	sld [smem:$0x3F99]  }
0x1a: {  	s8 =	sadd.s32 $0xFFFFE003, lr  }
0x1b: {  	s9 =	sadd.s32 $0xFFFFFEF7, lr;
	s5 =	simm.s32 $0xFFFFFFFF;
	p2 =	slt.u32 s8, $0xFFFFF086  }
0x1c: {  	p1 =	slt.u32 s9, $0xF7A;
	s5 =	simm.s32 @!p2 $0x0  }
0x1d: {  	s5 =	simm.s32 @p1 $0x1;
	p0 =	seq.s32 s7, s2  }
0x1e: {  	s7 =	smul.u32 @!p0 $0xF7A, s2;
	p2 =	seq.s32 @!p0 s5, $0x0  }
0x1f: {  	s9 =	smul.u32 $0xF7A, s1;
	s8 =	simm.s32 @!p0 $0x1BF5;
	p2 =	por !p2, p0  }
0x20: {  	[sflag:s8] =	ssyncset.s32 @!p0 $0xFFFFF086;
	s6 =	sadd.s32 @!p0 s3, s7;
	s7 =	simm.s32 @!p0 $0x108  }
0x21: {  	s3 =	sadd.s32 s3, s9;
	s6 =	sadd.s32 @!p0 $0x88, s6;
	s7 =	simm.s32 @p2 $0x1082  }
0x22: {  	[simem:s7], [sflag:s8] =	dma.local @!p0 [hbm:s6], $0xF7A  }
0x23: {  	s9 =	sor.u32 $0xD0000000, s2;
	s6 =	simm.s32 $0x108;
	_ =	swait.ge @!p0 [sflag:s8], $0x0  }
0x24: {  	s3 =	sadd.s32 $0x88, s3;
	s6 =	simm.s32 @!p1 $0x1082;
	[sflag:s4] =	ssyncset.s32 $0xFFFFF086  }
0x25: {  	[simem:s6], [sflag:s4] =	dma.local [hbm:s3], $0xF7A  }
0x26: {  	[smem:$0x3F99] =	sst s1;
	(tag) =	ssettag s2;
	_ =	strace s9  }
0x27: {  	s1 =	sld [smem:$0x3FA9]  }
0x28: {  	s2 =	sld [smem:$0x3FAA]  }
0x29: {  	s4 =	sld [smem:$0x3FAC]  }
0x2a: {  	p0 =	seq.s32 s5, $0x0;
	s5 =	sld [smem:$0x3FAD]  }
0x2b: {  	s6 =	sld [smem:$0x3FAE]  }
0x2c: {  	s7 =	sld [smem:$0x3FAF]  }
0x2d: {  	s3 =	simm.s32 $0x108;
	s8 =	sld [smem:$0x3FB0]  }
0x2e: {  	s3 =	simm.s32 @!p0 $0x1082;
	s9 =	sld [smem:$0x3FB1]  }
0x2f: {  	lr =	sadd.s32 s0, s3;
	s0 =	sld [smem:$0x3FA8]  }
0x30: {  	s3 =	sld [smem:$0x3FAB]  }
0x31: {  	[smem:$0x3FB4] =	sst s10  }
0x32: {  	s10 =	sld [smem:$0x3FB2];
	_ =	sdelay $0x3  }
0x33: {  	p0 =	seq.s32 s10, $0x1;
	s10 =	sld [smem:$0x3FB4];
	_ =	sdelay $0x3  }
0x34: {  	[smem:$0x3FB4] =	sst s10  }
0x35: {  	s10 =	sld [smem:$0x3FB3];
	_ =	sdelay $0x3  }
0x36: {  	p1 =	seq.s32 s10, $0x1;
	s10 =	sld [smem:$0x3FB4];
	_ =	sdelay $0x3  }
0x37: {  	[smem:$0x3FB4] =	sst s10  }
0x38: {  	s10 =	sld [smem:$0x3FB5]  }
0x39: {  	_ = 	snop;
	(pc) =	sbr.ind lr, $3  }
0x3a: {  	_ = 	snop  }
0x3b: {  	_ = 	snop  }
0x3c: {  	p2 =	seq.s32 s10, $0x1;
	s10 =	sld [smem:$0x3FB4]  }
0x3d: {  	_ =	shalt  }
0x3e: {  	_ =	shalt  }
0x3f: {  	_ =	shalt  }
0x40: {  	_ =	shalt  }
0x41: {  	_ =	shalt  }
0x42: {  	_ =	shalt  }
0x43: {  	_ =	shalt  }
0x44: {  	_ =	shalt  }
0x45: {  	_ =	shalt  }
0x46: {  	_ =	shalt  }
0x47: {  	_ =	shalt  }
0x48: {  	_ =	shalt  }
0x49: {  	_ =	shalt  }
0x4a: {  	_ =	shalt  }
0x4b: {  	_ =	shalt  }
0x4c: {  	_ =	shalt  }
0x4d: {  	_ =	shalt  }
0x4e: {  	_ =	shalt  }
0x4f: {  	_ =	shalt  }
0x50: {  	_ =	shalt  }
0x51: {  	_ =	shalt  }
0x52: {  	_ =	shalt  }
0x53: {  	_ =	shalt  }
0x54: {  	_ =	shalt  }
0x55: {  	_ =	shalt  }
0x56: {  	_ =	shalt  }
0x57: {  	_ =	shalt  }
0x58: {  	_ =	shalt  }
0x59: {  	_ =	shalt  }
0x5a: {  	_ =	shalt  }
0x5b: {  	_ =	shalt  }
0x5c: {  	_ =	shalt  }
0x5d: {  	_ =	shalt  }
0x5e: {  	_ =	shalt  }
0x5f: {  	_ =	shalt  }
0x60: {  	_ =	shalt  }
0x61: {  	_ =	shalt  }
0x62: {  	_ =	shalt  }
0x63: {  	_ =	shalt  }
0x64: {  	_ =	shalt  }
0x65: {  	_ =	shalt  }
0x66: {  	_ =	shalt  }
0x67: {  	_ =	shalt  }
0x68: {  	_ =	shalt  }
0x69: {  	_ =	shalt  }
0x6a: {  	_ =	shalt  }
0x6b: {  	_ =	shalt  }
0x6c: {  	_ =	shalt  }
0x6d: {  	_ =	shalt  }
0x6e: {  	_ =	shalt  }
0x6f: {  	_ =	shalt  }
0x70: {  	_ =	shalt  }
0x71: {  	_ =	shalt  }
0x72: {  	_ =	shalt  }
0x73: {  	_ =	shalt  }
0x74: {  	_ =	shalt  }
0x75: {  	_ =	shalt  }
0x76: {  	_ =	shalt  }
0x77: {  	_ =	shalt  }
0x78: {  	_ =	shalt  }
0x79: {  	_ =	shalt  }
0x7a: {  	_ =	shalt  }
0x7b: {  	_ =	shalt  }
0x7c: {  	_ =	shalt  }
0x7d: {  	_ =	shalt  }
0x7e: {  	_ =	shalt  }
0x7f: {  	_ =	shalt  }
0x80: {  	_ =	shalt  }
0x81: {  	_ =	shalt  }
0x82: {  	_ =	shalt  }
0x83: {  	_ =	shalt  }
0x84: {  	_ =	shalt  }
0x85: {  	_ =	shalt  }
0x86: {  	_ =	shalt  }
0x87: {  	_ =	shalt  }
.Lfunc_end0:
.L_simem_size_0:
called_computation_lowered:
.L_overlay_start_0:
0x88: {  	s2 =	sld [smem:$0x3FD9]  }
0x89: {  	s3 =	sld [smem:$0x3FFE];
	_ =	sdelay $0x1  }
0x8a: {  	s1 =	srdreg.scid  }
0x8b: {  	s0 =	sand.u32 $0x1, s1  }
0x8c: {  	s16 =	sshll.u32 s0, $0xA;
	s2 =	sadd.s32 s3, s2  }
0x8d: {  	s2 =	sadd.s32 s2, s16  }
0x8e: {  	[smem:$0x3FC0] =	sst s2  }
0x8f: {  	_ = 	snop  }
0x90: {  	(tm) =	ssettm $0x1  }
0x91: {  	s17 =	sld [smem:$0x3FFB];
	_ =	sdelay $0x3  }
0x92: {  	_ =	strace s17  }
0x93: {  	s2 =	sld [smem:$0x3FFC];
	_ =	sdelay $0x3  }
0x94: {  	_ =	strace s2  }
0x95: {  	s2 =	sld [smem:$0x3FFD];
	_ =	sdelay $0x3  }
0x96: {  	_ =	strace s2  }
0x97: {  	_ =	strace $0x8FFFFFFF  }
0x98: {  	s18 =	sld [smem:$0x3FDB];
	_ =	sdelay $0x1  }
0x99: {  	s19 =	simm.s32 $_scs_section_size  }
0x9a: {  	s4 =	simm.s32 $_size__tile_overlayer_lowered;
	s5 =	simm.s32 $_tile_overlayer_lowered  }
0x9b: {  	s22 =	simm.s32 $0x1BFF;
	s21 =	sshll.u32 s5, $0x1;
	s2 =	sadd.s32 s19, s18  }
0x9c: {  	s6 =	simm.s32 $0x0;
	s20 =	sshll.u32 s4, $0x1;
	s4 =	sadd.s32 s21, s2  }
0x9d: {  	[timem:s6], [sflag:s22] =	dma.local [hbm:s4], s20  }
0x9e: {  	_ =	swait.ge [sflag:s22], s20  }
0x9f: {  	s3 =	ssub.s32 $0x0, s20;
	[sflag:s22] =	ssyncset.done $0x0  }
0xa0: {  	[sflag:s22] =	ssyncadd.s32 s3;
	_ =	sdelay $0x1  }
0xa1: {  	s23 =	simm.s32 $0x1B8B  }
0xa2: {  	_ =	swait.ge [sflag:s23], $0x1  }
0xa3: {  	[sflag:s23] =	ssyncset.done $0x0  }
0xa4: {  	s25 =	simm.s32 $0x1B8E;
	s24 =	sld [smem:$0x3FFE];
	[sflag:s23] =	ssyncadd.s32 $0xFFFFFFFF  }
0xa5: {  	s26 =	simm.s32 $execute0_lowered;
	[smem:$0x3FD2] =	sst s25  }
0xa6: {  	s4 =	sshll.u32 s26, $0x1;
	_ =	strace $0x80000046;
	[dreg:$0x1] =	wrdreg $0xFFFFFFFF  }
0xa7: {  	s28 =	simm.s32 $_size_execute0_lowered;
	s2 =	sadd.s32 s2, s4;
	[dreg:$0x0] =	wrdreg $0x0  }
0xa8: {  	s4 =	sshll.u32 s28, $0x1;
	[dreg:$0x2] =	wrdreg s2  }
0xa9: {  	[dreg:$0x3] =	wrdreg s4  }
0xaa: {  	[dreg:$0x4] =	wrdreg $0xC0  }
0xab: {  	_ =	task [dreg:s6], $0x5FFFF  }
0xac: {  	[dreg:$0x1] =	wrdreg $0xFFFFFFFF  }
0xad: {  	[dreg:$0x0] =	wrdreg $0x60  }
0xae: {  	[dreg:$0x2] =	wrdreg s24  }
0xaf: {  	[dreg:$0x3] =	wrdreg $0x9  }
0xb0: {  	_ =	task.clear_ibuf [dreg:s6], $0x4FFFF;
	_ =	strace $0x90000046  }
0xb1: {  	s29 =	simm.s32 $0x9;
	_ =	strace $0x80000048  }
0xb2: {  	_ =	swait.ge [sflag:s29], $0x1  }
0xb3: {  	[sflag:s29] =	ssyncadd.s32 $0xFFFFFFFF  }
0xb4: {  	_ =	strace $0x90000048  }
0xb5: {  	_ =	sfence  }
0xb6: {  	s30 =	sld [smem:$0x0];
	_ =	sdelay $0x2  }
0xb7: {  	s31 =	sshll.u32 s1, $0xD;
	s1 =	sshrl.u32 s1, $0x2  }
0xb8: {  	s3 =	sand.u32 $0x4000, s31;
	s1 =	sadd.s32 s1, s30  }
0xb9: {  	s0 =	sor.u32 s3, s0;
	s1 =	sshll.u32 s1, $0x11  }
0xba: {  	s0 =	sor.u32 s1, s0  }
0xbb: {  	s0 =	sadd.s32 $0x8F2B, s0  }
0xbc: {  	[sflag:s0] =	ssyncadd.remote.s32 $0x1  }
0xbd: {  	_ =	sfence.sel $0xFFFF  }
0xbe: {  	[dreg:$0x0] =	wrdreg $0xFFFFFFFF;
	(pc) =	sbr.abs _section_cstart, $3  }
0xbf: {  	[dreg:$0x1] =	wrdreg $0xFFFFFFFF  }
0xc0: {  	_ =	task.clear_ibuf [dreg:s6], $0x2FFFF;
	_ =	strace $0x9FFFFFFF  }
0xc1: {  	(tm) =	ssettm $0x7FFFFFFF  }
tec
execute0_lowered:
.L_overlay_start_1:
0x0: {  	(tag) =	ssettag $0x1  }
0x1: {  	s4 =	rddreg [dreg:$0x0]  }
0x2: {  	s0 =	rddreg [dreg:$0x1];
	s2 =	simm.s32 $0x0;
	s3 =	srdreg.scid  }
0x3: {  	s1 =	stileid.u32;
	s9 =	simm.s32 $0x80;
	s10 =	simm.s32 $0x5400  }
0x4: {  	s11 =	simm.s32 $0x100;
	s12 =	simm.s32 $0x8800;
	s13 =	simm.s32 $0x180  }
0x5: {  	s14 =	simm.s32 $0xBC00;
	s15 =	simm.s32 $0x200;
	s16 =	simm.s32 $0xF000  }
0x6: {  	s17 =	simm.s32 $0x1;
	s18 =	simm.s32 $0x15800;
	s19 =	simm.s32 $0x0  }
0x7: {  	[smem:$0x7FF] =	sst s2;
	s5 =	sand.u32 $0x1, s3;
	s31 =	sshll.u32 s1, $0x1  }
0x8: {  	s3 =	sadd.s32 $0x9000, s4;
	_ =	strace $0x80000047;
	s6 =	sor.u32 s5, s31  }
0x9: {  	s5 =	ssub.s32 $0x2, s5;
	s7 =	sshll.u32 s6, $0xA;
	s6 =	sshll.u32 s6, $0xB  }
0xa: {  	s8 =	sshrl.u32 s5, $0x1;
	s7 =	sadd.s32 s7, s4;
	s6 =	sadd.s32 s6, s4  }
0xb: {  	s8 =	ssub.s32 s5, s8;
	s4 =	sadd.s32 $0x1000, s7;
	s5 =	sadd.s32 $0x18FA00, s6  }
0xc: {  	s6 =	smax.u32 s8, $0x1;
	s7 =	simm.s32 $0x2;
	s8 =	simm.s32 $0x64  }
.LBB2_1:
0xd: {  	[tilespmem:s2], [sflag:$0x2] =	stream.linear.gather [hbm4b:s4+s2], $0x2000, $0x38;
	[tilespmem:$0x19800] =	vst v63  }
0xe: {  	_ =	swait.ge [sflag:s7], $0x2000  }
0xf: {  	[sflag:s7] =	ssyncset.done $0x0  }
0x10: {  	s20 =	simm.s32 $0x2000;
	[sflag:s7] =	ssyncadd.s32 $0xFFFFE000  }
0x11: {  	[tilespmem:s20], [sflag:$0x1] =	stream.indirect.gather [hbm4b:s3+s8], $0x80, s2, s8, $0xb8;
	[tilespmem:$0x19800] =	vst v63  }
0x12: {  	_ = 	snop  }
0x13: {  	[tilespmem:s10], [sflag:$0x1] =	stream.indirect.gather [hbm4b:s3+s8], $0x80, s9, s8, $0xb8;
	[tilespmem:$0x19800] =	vst v63  }
0x14: {  	_ = 	snop  }
0x15: {  	[tilespmem:s12], [sflag:$0x1] =	stream.indirect.gather [hbm4b:s3+s8], $0x80, s11, s8, $0xb8;
	[tilespmem:$0x19800] =	vst v63  }
0x16: {  	_ = 	snop  }
0x17: {  	[tilespmem:s14], [sflag:$0x1] =	stream.indirect.gather [hbm4b:s3+s8], $0x80, s13, s8, $0xb8;
	[tilespmem:$0x19800] =	vst v63  }
0x18: {  	s21 =	simm.s32 $0x0;
	s22 =	simm.s32 $0x0  }
0x19: {  	[tilespmem:s16], [sflag:$0x1] =	stream.indirect.gather [hbm4b:s3+s8], $0x80, s15, s8, $0xb8;
	[tilespmem:$0x19800] =	vst v63  }
.LBB2_2:
0x1a: {  	s23 =	sshll.u32 s22, $0x1;
	p0 =	sgt.u32 s22, $0x1D  }
0x1b: {  	s24 =	sadd.s32 @!p0 $0x5, s23  }
0x1c: {  	s25 =	smul.u32 @!p0 $0xAB, s24;
	_ =	sdelay $0x1  }
0x1d: {  	s26 =	smulhi.u32 $0xAAAAAAAB, s21;
	s25 =	sshrl.u32 @!p0 s25, $0xA  }
0x1e: {  	s25 =	sand.u32 @!p0 $0x3F, s25  }
0x1f: {  	s26 =	sshrl.u32 s26, $0x2;
	s25 =	smul.u32 @!p0 $0x6, s25  }
0x20: {  	s26 =	smul.u32 $0xFFFB2000, s26  }
0x21: {  	s25 =	ssub.s32 @!p0 s24, s25  }
0x22: {  	s26 =	sshra.s32 s26, $0x2;
	s25 =	sand.u32 @!p0 $0xFF, s25  }
0x23: {  	_ =	swait.ge [sflag:s17], $0x3200;
	s26 =	sadd.s32 s26, s20;
	s25 =	smul.u32 @!p0 $0xD000, s25  }
0x24: {  	[sflag:s17] =	ssyncset.done $0x0;
	v0 =	vmov s26  }
0x25: {  	[sflag:s17] =	ssyncadd.s32 $0xFFFFCE00;
	s24 =	sshll.u32 @!p0 s24, $0x7;
	s25 =	sshrl.u32 @!p0 s25, $0x2  }
0x26: {  	s26 =	simm.s32 @!p0 $0x64;
	s24 =	sand.u32 @!p0 $0x3FFFFF80, s24;
	s25 =	sadd.s32 @!p0 $0x2000, s25  }
0x27: {  	[tilespmem:s25], [sflag:$0x1] =	stream.indirect.gather @!p0 [hbm4b:s3+s26], $0x80, s24, s26, $0xb8;
	[tilespmem:$0x19800] =	vst v63  }
0x28: {  	s24 =	simm.s32 $0x0  }
0x29: {  	v6 =	vld.idx.msk [tilespmem:v0+s24+$0x80 ss:$0x1], $0xffff  }
0x2a: {  	v3 =	vld.idx.msk [tilespmem:v0+s24+$0x90 ss:$0x1], $0xffff  }
0x2b: {  	v4 =	vld.idx.msk [tilespmem:v0+s24+$0xA0 ss:$0x1], $0xffff  }
0x2c: {  	v5 =	vld.idx.msk [tilespmem:v0+s24+$0xB0 ss:$0x1], $0xffff  }
0x2d: {  	v2 =	vld.idx.msk [tilespmem:v0+s24+$0xC0 ss:$0x1], $0xffff  }
0x2e: {  	v1 =	vld.idx.msk [tilespmem:v0+s24+$0xD0 ss:$0x1], $0xffff  }
0x2f: {  	v20 =	vld.idx.msk [tilespmem:v0+s24+$0x0 ss:$0x1], $0xffff  }
0x30: {  	v21 =	vld.idx.msk [tilespmem:v0+s24+$0x10 ss:$0x1], $0xffff  }
0x31: {  	v19 =	vld.idx.msk [tilespmem:v0+s24+$0x20 ss:$0x1], $0xffff  }
0x32: {  	v18 =	vld.idx.msk [tilespmem:v0+s24+$0x30 ss:$0x1], $0xffff  }
0x33: {  	v12 =	vimm.f32 $0.0e+00;
	v13 =	vimm.f32 $0.0e+00;
	v15 =	vld.idx.msk [tilespmem:v0+s24+$0x40 ss:$0x1], $0xffff  }
0x34: {  	v14 =	vimm.f32 $0.0e+00;
	v11 =	vimm.f32 $0.0e+00;
	v8 =	vimm.f32 $0.0e+00;
	v16 =	vld.idx.msk [tilespmem:v0+s24+$0x50 ss:$0x1], $0xffff  }
0x35: {  	v10 =	vimm.f32 $0.0e+00;
	v9 =	vimm.f32 $0.0e+00;
	v7 =	vimm.f32 $0.0e+00;
	s25 =	simm.s32 $0x400;
	v17 =	vld.idx.msk [tilespmem:v0+s24+$0x60 ss:$0x1], $0xffff  }
.LBB2_3:
0x36: {  	p0 =	sne.s32 s25, $0x6000;
	v22 =	vld.idx.msk [tilespmem:v0+s24+$0x70 ss:$0x1], $0xffff  }
0x37: {  	v12 =	vadd.f32 v20, v12;
	v13 =	vadd.f32 v21, v13;
	v20 =	vld.idx.msk [tilespmem:v0+s24+$0xE0 ss:$0x1], $0xffff  }
0x38: {  	v14 =	vadd.f32 v19, v14;
	v11 =	vadd.f32 v18, v11;
	v18 =	vld.idx.msk [tilespmem:v0+s24+$0xF0 ss:$0x1], $0xffff;
	s24 =	sshra.s32 s25, $0x2  }
0x39: {  	v12 =	vadd.f32 v6, v12;
	v13 =	vadd.f32 v3, v13;
	v6 =	vld.idx.msk [tilespmem:v0+s24+$0x80 ss:$0x1], $0xffff  }
0x3a: {  	v14 =	vadd.f32 v4, v14;
	v11 =	vadd.f32 v5, v11;
	v3 =	vld.idx.msk [tilespmem:v0+s24+$0x90 ss:$0x1], $0xffff  }
0x3b: {  	v8 =	vadd.f32 v15, v8;
	v10 =	vadd.f32 v16, v10;
	v4 =	vld.idx.msk [tilespmem:v0+s24+$0xA0 ss:$0x1], $0xffff  }
0x3c: {  	v9 =	vadd.f32 v17, v9;
	v7 =	vadd.f32 v22, v7;
	v5 =	vld.idx.msk [tilespmem:v0+s24+$0xB0 ss:$0x1], $0xffff  }
0x3d: {  	v8 =	vadd.f32 v2, v8;
	v10 =	vadd.f32 v1, v10;
	v2 =	vld.idx.msk [tilespmem:v0+s24+$0xC0 ss:$0x1], $0xffff  }
0x3e: {  	v9 =	vadd.f32 v20, v9;
	v7 =	vadd.f32 v18, v7;
	v1 =	vld.idx.msk [tilespmem:v0+s24+$0xD0 ss:$0x1], $0xffff  }
0x3f: {  	v20 =	vld.idx.msk [tilespmem:v0+s24+$0x0 ss:$0x1], $0xffff  }
0x40: {  	v21 =	vld.idx.msk [tilespmem:v0+s24+$0x10 ss:$0x1], $0xffff  }
.Ltmp0:
0x41: {  	v19 =	vld.idx.msk [tilespmem:v0+s24+$0x20 ss:$0x1], $0xffff;
	(pc) =	sbr.rel @p0 .LBB2_3-.Ltmp0, $4  }
0x42: {  	v18 =	vld.idx.msk [tilespmem:v0+s24+$0x30 ss:$0x1], $0xffff  }
0x43: {  	v15 =	vld.idx.msk [tilespmem:v0+s24+$0x40 ss:$0x1], $0xffff  }
0x44: {  	v16 =	vld.idx.msk [tilespmem:v0+s24+$0x50 ss:$0x1], $0xffff  }
0x45: {  	s25 =	sadd.s32 $0x400, s25;
	v17 =	vld.idx.msk [tilespmem:v0+s24+$0x60 ss:$0x1], $0xffff  }
0x46: {  	_ =	sdelay $0x2  }
0x47: {  	v12 =	vadd.f32 v20, v12  }
0x48: {  	v20 =	vld.idx.msk [tilespmem:v0+s24+$0x70 ss:$0x1], $0xffff;
	v13 =	vadd.f32 v21, v13  }
0x49: {  	v21 =	vld.idx.msk [tilespmem:v0+s24+$0xE0 ss:$0x1], $0xffff;
	v14 =	vadd.f32 v19, v14;
	s25 =	sshll.u32 s22, $0x9;
	v6 =	vadd.f32 v6, v12  }
0x4a: {  	v11 =	vadd.f32 v18, v11;
	v12 =	vld.idx.msk [tilespmem:v0+s24+$0xF0 ss:$0x1], $0xffff;
	v3 =	vadd.f32 v3, v13;
	s24 =	sand.u32 $0x3FFFFE00, s25  }
0x4b: {  	v4 =	vadd.f32 v4, v14;
	v8 =	vadd.f32 v15, v8;
	[tilespmem:s24+$0x15800] =	vst v6  }
0x4c: {  	v5 =	vadd.f32 v5, v11;
	v6 =	vadd.f32 v16, v10;
	[tilespmem:s24+$0x15810] =	vst v3  }
0x4d: {  	v3 =	vadd.f32 v17, v9;
	v2 =	vadd.f32 v2, v8;
	[tilespmem:s24+$0x15820] =	vst v4  }
0x4e: {  	v4 =	vadd.f32 v20, v7;
	[tilespmem:s24+$0x15830] =	vst v5;
	v1 =	vadd.f32 v1, v6  }
0x4f: {  	v3 =	vadd.f32 v21, v3;
	[tilespmem:s24+$0x15840] =	vst v2  }
0x50: {  	v2 =	vadd.f32 v12, v4;
	[tilespmem:s24+$0x15850] =	vst v1  }
0x51: {  	[tilespmem:s24+$0x15860] =	vst v3  }
0x52: {  	s25 =	simm.s32 $0x0;
	[tilespmem:s24+$0x15870] =	vst v2  }
0x53: {  	v4 =	vld.idx.msk [tilespmem:v0+s25+$0x1980 ss:$0x1], $0xffff  }
0x54: {  	v3 =	vld.idx.msk [tilespmem:v0+s25+$0x1990 ss:$0x1], $0xffff  }
0x55: {  	v5 =	vld.idx.msk [tilespmem:v0+s25+$0x19A0 ss:$0x1], $0xffff  }
0x56: {  	v6 =	vld.idx.msk [tilespmem:v0+s25+$0x19B0 ss:$0x1], $0xffff  }
0x57: {  	v2 =	vld.idx.msk [tilespmem:v0+s25+$0x19C0 ss:$0x1], $0xffff  }
0x58: {  	v1 =	vld.idx.msk [tilespmem:v0+s25+$0x19D0 ss:$0x1], $0xffff  }
0x59: {  	v20 =	vld.idx.msk [tilespmem:v0+s25+$0x1900 ss:$0x1], $0xffff  }
0x5a: {  	v21 =	vld.idx.msk [tilespmem:v0+s25+$0x1910 ss:$0x1], $0xffff  }
0x5b: {  	v18 =	vld.idx.msk [tilespmem:v0+s25+$0x1920 ss:$0x1], $0xffff  }
0x5c: {  	v19 =	vld.idx.msk [tilespmem:v0+s25+$0x1930 ss:$0x1], $0xffff  }
0x5d: {  	v13 =	vimm.f32 $0.0e+00;
	v14 =	vimm.f32 $0.0e+00;
	v15 =	vld.idx.msk [tilespmem:v0+s25+$0x1940 ss:$0x1], $0xffff  }
0x5e: {  	v11 =	vimm.f32 $0.0e+00;
	v9 =	vimm.f32 $0.0e+00;
	v10 =	vimm.f32 $0.0e+00;
	v16 =	vld.idx.msk [tilespmem:v0+s25+$0x1950 ss:$0x1], $0xffff  }
0x5f: {  	s26 =	simm.s32 $0x400;
	v8 =	vimm.f32 $0.0e+00;
	v7 =	vimm.f32 $0.0e+00;
	v12 =	vimm.f32 $0.0e+00;
	v17 =	vld.idx.msk [tilespmem:v0+s25+$0x1960 ss:$0x1], $0xffff  }
.LBB2_5:
0x60: {  	p0 =	sne.s32 s26, $0x6000;
	v22 =	vld.idx.msk [tilespmem:v0+s25+$0x1970 ss:$0x1], $0xffff  }
0x61: {  	v11 =	vadd.f32 v20, v11;
	v13 =	vadd.f32 v21, v13;
	v20 =	vld.idx.msk [tilespmem:v0+s25+$0x19E0 ss:$0x1], $0xffff  }
0x62: {  	v14 =	vadd.f32 v18, v14;
	v12 =	vadd.f32 v19, v12;
	v18 =	vld.idx.msk [tilespmem:v0+s25+$0x19F0 ss:$0x1], $0xffff;
	s25 =	sshra.s32 s26, $0x2  }
0x63: {  	v11 =	vadd.f32 v4, v11;
	v13 =	vadd.f32 v3, v13;
	v4 =	vld.idx.msk [tilespmem:v0+s25+$0x1980 ss:$0x1], $0xffff  }
0x64: {  	v14 =	vadd.f32 v5, v14;
	v12 =	vadd.f32 v6, v12;
	v3 =	vld.idx.msk [tilespmem:v0+s25+$0x1990 ss:$0x1], $0xffff  }
0x65: {  	v9 =	vadd.f32 v15, v9;
	v10 =	vadd.f32 v16, v10;
	v5 =	vld.idx.msk [tilespmem:v0+s25+$0x19A0 ss:$0x1], $0xffff  }
0x66: {  	v8 =	vadd.f32 v17, v8;
	v7 =	vadd.f32 v22, v7;
	v6 =	vld.idx.msk [tilespmem:v0+s25+$0x19B0 ss:$0x1], $0xffff  }
0x67: {  	v9 =	vadd.f32 v2, v9;
	v10 =	vadd.f32 v1, v10;
	v2 =	vld.idx.msk [tilespmem:v0+s25+$0x19C0 ss:$0x1], $0xffff  }
0x68: {  	v8 =	vadd.f32 v20, v8;
	v7 =	vadd.f32 v18, v7;
	v1 =	vld.idx.msk [tilespmem:v0+s25+$0x19D0 ss:$0x1], $0xffff  }
0x69: {  	v20 =	vld.idx.msk [tilespmem:v0+s25+$0x1900 ss:$0x1], $0xffff  }
0x6a: {  	v21 =	vld.idx.msk [tilespmem:v0+s25+$0x1910 ss:$0x1], $0xffff  }
.Ltmp1:
0x6b: {  	v18 =	vld.idx.msk [tilespmem:v0+s25+$0x1920 ss:$0x1], $0xffff;
	(pc) =	sbr.rel @p0 .LBB2_5-.Ltmp1, $4  }
0x6c: {  	v19 =	vld.idx.msk [tilespmem:v0+s25+$0x1930 ss:$0x1], $0xffff  }
0x6d: {  	v15 =	vld.idx.msk [tilespmem:v0+s25+$0x1940 ss:$0x1], $0xffff  }
0x6e: {  	v16 =	vld.idx.msk [tilespmem:v0+s25+$0x1950 ss:$0x1], $0xffff  }
0x6f: {  	s26 =	sadd.s32 $0x400, s26;
	v17 =	vld.idx.msk [tilespmem:v0+s25+$0x1960 ss:$0x1], $0xffff  }
0x70: {  	_ =	sdelay $0x1  }
0x71: {  	v11 =	vadd.f32 v20, v11  }
0x72: {  	v13 =	vadd.f32 v21, v13  }
0x73: {  	v20 =	vld.idx.msk [tilespmem:v0+s25+$0x1970 ss:$0x1], $0xffff;
	v14 =	vadd.f32 v18, v14;
	v4 =	vadd.f32 v4, v11  }
0x74: {  	v21 =	vld.idx.msk [tilespmem:v0+s25+$0x19E0 ss:$0x1], $0xffff;
	v11 =	vadd.f32 v19, v12;
	v3 =	vadd.f32 v3, v13  }
0x75: {  	v12 =	vld.idx.msk [tilespmem:v0+s25+$0x19F0 ss:$0x1], $0xffff;
	v5 =	vadd.f32 v5, v14;
	v9 =	vadd.f32 v15, v9;
	[tilespmem:s24+$0x15880] =	vst v4  }
0x76: {  	p0 =	sgt.u32 s22, $0x1C;
	v4 =	vadd.f32 v6, v11;
	v6 =	vadd.f32 v16, v10;
	[tilespmem:s24+$0x15890] =	vst v3  }
0x77: {  	s25 =	sadd.s32 @!p0 $0x6, s23;
	v3 =	vadd.f32 v17, v8;
	v2 =	vadd.f32 v2, v9;
	[tilespmem:s24+$0x158A0] =	vst v5  }
0x78: {  	s26 =	smulhi.u32 @!p0 $0x2AAAAAAB, s25;
	v5 =	vadd.f32 v20, v7;
	v1 =	vadd.f32 v1, v6;
	[tilespmem:s24+$0x158B0] =	vst v4  }
0x79: {  	v3 =	vadd.f32 v21, v3;
	[tilespmem:s24+$0x158C0] =	vst v2  }
0x7a: {  	s26 =	smul.u32 @!p0 $0x6, s26;
	v2 =	vadd.f32 v12, v5;
	[tilespmem:s24+$0x158D0] =	vst v1  }
0x7b: {  	[tilespmem:s24+$0x158E0] =	vst v3  }
0x7c: {  	[tilespmem:s24+$0x158F0] =	vst v2;
	s24 =	ssub.s32 @!p0 s25, s26  }
0x7d: {  	s24 =	smul.u32 @!p0 $0xD000, s24  }
0x7e: {  	s25 =	sshll.u32 @!p0 s25, $0x7;
	_ =	swait.ge [sflag:s17], $0x3200  }
0x7f: {  	s26 =	simm.s32 @!p0 $0x64;
	[sflag:s17] =	ssyncset.done $0x0;
	s24 =	sshrl.u32 @!p0 s24, $0x2  }
0x80: {  	s25 =	sand.u32 @!p0 $0x3FFFFF80, s25;
	[sflag:s17] =	ssyncadd.s32 $0xFFFFCE00;
	s24 =	sadd.s32 @!p0 $0x2000, s24  }
0x81: {  	[tilespmem:s24], [sflag:$0x1] =	stream.indirect.gather @!p0 [hbm4b:s3+s26], $0x80, s25, s26, $0xb8;
	[tilespmem:$0x19800] =	vst v63  }
0x82: {  	s24 =	simm.s32 $0x0  }
0x83: {  	v6 =	vld.idx.msk [tilespmem:v0+s24+$0x3480 ss:$0x1], $0xffff  }
0x84: {  	v3 =	vld.idx.msk [tilespmem:v0+s24+$0x3490 ss:$0x1], $0xffff  }
0x85: {  	v4 =	vld.idx.msk [tilespmem:v0+s24+$0x34A0 ss:$0x1], $0xffff  }
0x86: {  	v5 =	vld.idx.msk [tilespmem:v0+s24+$0x34B0 ss:$0x1], $0xffff  }
0x87: {  	v2 =	vld.idx.msk [tilespmem:v0+s24+$0x34C0 ss:$0x1], $0xffff  }
0x88: {  	v1 =	vld.idx.msk [tilespmem:v0+s24+$0x34D0 ss:$0x1], $0xffff  }
0x89: {  	v20 =	vld.idx.msk [tilespmem:v0+s24+$0x3400 ss:$0x1], $0xffff  }
0x8a: {  	v21 =	vld.idx.msk [tilespmem:v0+s24+$0x3410 ss:$0x1], $0xffff  }
0x8b: {  	v19 =	vld.idx.msk [tilespmem:v0+s24+$0x3420 ss:$0x1], $0xffff  }
0x8c: {  	v18 =	vld.idx.msk [tilespmem:v0+s24+$0x3430 ss:$0x1], $0xffff  }
0x8d: {  	v13 =	vimm.f32 $0.0e+00;
	v14 =	vimm.f32 $0.0e+00;
	v15 =	vld.idx.msk [tilespmem:v0+s24+$0x3440 ss:$0x1], $0xffff  }
0x8e: {  	v11 =	vimm.f32 $0.0e+00;
	v8 =	vimm.f32 $0.0e+00;
	v10 =	vimm.f32 $0.0e+00;
	v16 =	vld.idx.msk [tilespmem:v0+s24+$0x3450 ss:$0x1], $0xffff  }
0x8f: {  	s23 =	sor.u32 $0x1, s23;
	v9 =	vimm.f32 $0.0e+00;
	v7 =	vimm.f32 $0.0e+00;
	v12 =	vimm.f32 $0.0e+00;
	s25 =	simm.s32 $0x400;
	v17 =	vld.idx.msk [tilespmem:v0+s24+$0x3460 ss:$0x1], $0xffff  }
.LBB2_7:
0x90: {  	p0 =	sne.s32 s25, $0x6000;
	v22 =	vld.idx.msk [tilespmem:v0+s24+$0x3470 ss:$0x1], $0xffff  }
0x91: {  	v12 =	vadd.f32 v20, v12;
	v13 =	vadd.f32 v21, v13;
	v20 =	vld.idx.msk [tilespmem:v0+s24+$0x34E0 ss:$0x1], $0xffff  }
0x92: {  	v14 =	vadd.f32 v19, v14;
	v11 =	vadd.f32 v18, v11;
	v18 =	vld.idx.msk [tilespmem:v0+s24+$0x34F0 ss:$0x1], $0xffff;
	s24 =	sshra.s32 s25, $0x2  }
0x93: {  	v12 =	vadd.f32 v6, v12;
	v13 =	vadd.f32 v3, v13;
	v6 =	vld.idx.msk [tilespmem:v0+s24+$0x3480 ss:$0x1], $0xffff  }
0x94: {  	v14 =	vadd.f32 v4, v14;
	v11 =	vadd.f32 v5, v11;
	v3 =	vld.idx.msk [tilespmem:v0+s24+$0x3490 ss:$0x1], $0xffff  }
0x95: {  	v8 =	vadd.f32 v15, v8;
	v10 =	vadd.f32 v16, v10;
	v4 =	vld.idx.msk [tilespmem:v0+s24+$0x34A0 ss:$0x1], $0xffff  }
0x96: {  	v9 =	vadd.f32 v17, v9;
	v7 =	vadd.f32 v22, v7;
	v5 =	vld.idx.msk [tilespmem:v0+s24+$0x34B0 ss:$0x1], $0xffff  }
0x97: {  	v8 =	vadd.f32 v2, v8;
	v10 =	vadd.f32 v1, v10;
	v2 =	vld.idx.msk [tilespmem:v0+s24+$0x34C0 ss:$0x1], $0xffff  }
0x98: {  	v9 =	vadd.f32 v20, v9;
	v7 =	vadd.f32 v18, v7;
	v1 =	vld.idx.msk [tilespmem:v0+s24+$0x34D0 ss:$0x1], $0xffff  }
0x99: {  	v20 =	vld.idx.msk [tilespmem:v0+s24+$0x3400 ss:$0x1], $0xffff  }
0x9a: {  	v21 =	vld.idx.msk [tilespmem:v0+s24+$0x3410 ss:$0x1], $0xffff  }
.Ltmp2:
0x9b: {  	v19 =	vld.idx.msk [tilespmem:v0+s24+$0x3420 ss:$0x1], $0xffff;
	(pc) =	sbr.rel @p0 .LBB2_7-.Ltmp2, $4  }
0x9c: {  	v18 =	vld.idx.msk [tilespmem:v0+s24+$0x3430 ss:$0x1], $0xffff  }
0x9d: {  	v15 =	vld.idx.msk [tilespmem:v0+s24+$0x3440 ss:$0x1], $0xffff  }
0x9e: {  	v16 =	vld.idx.msk [tilespmem:v0+s24+$0x3450 ss:$0x1], $0xffff  }
0x9f: {  	s25 =	sadd.s32 $0x400, s25;
	v17 =	vld.idx.msk [tilespmem:v0+s24+$0x3460 ss:$0x1], $0xffff  }
0xa0: {  	_ =	sdelay $0x1  }
0xa1: {  	v12 =	vadd.f32 v20, v12  }
0xa2: {  	v13 =	vadd.f32 v21, v13  }
0xa3: {  	v20 =	vld.idx.msk [tilespmem:v0+s24+$0x3470 ss:$0x1], $0xffff;
	v14 =	vadd.f32 v19, v14;
	s23 =	sshll.u32 s23, $0x8;
	v6 =	vadd.f32 v6, v12  }
0xa4: {  	v21 =	vld.idx.msk [tilespmem:v0+s24+$0x34E0 ss:$0x1], $0xffff;
	v11 =	vadd.f32 v18, v11;
	s23 =	sand.u32 $0x3FFFFF00, s23;
	v3 =	vadd.f32 v3, v13  }
0xa5: {  	v12 =	vld.idx.msk [tilespmem:v0+s24+$0x34F0 ss:$0x1], $0xffff;
	v4 =	vadd.f32 v4, v14;
	v8 =	vadd.f32 v15, v8;
	[tilespmem:s23+$0x15800] =	vst v6  }
0xa6: {  	v5 =	vadd.f32 v5, v11;
	v6 =	vadd.f32 v16, v10;
	[tilespmem:s23+$0x15810] =	vst v3  }
0xa7: {  	v3 =	vadd.f32 v17, v9;
	v2 =	vadd.f32 v2, v8;
	[tilespmem:s23+$0x15820] =	vst v4  }
0xa8: {  	v4 =	vadd.f32 v20, v7;
	[tilespmem:s23+$0x15830] =	vst v5;
	v1 =	vadd.f32 v1, v6  }
0xa9: {  	v3 =	vadd.f32 v21, v3;
	[tilespmem:s23+$0x15840] =	vst v2  }
0xaa: {  	v2 =	vadd.f32 v12, v4;
	[tilespmem:s23+$0x15850] =	vst v1  }
0xab: {  	[tilespmem:s23+$0x15860] =	vst v3  }
0xac: {  	s24 =	simm.s32 $0x0;
	[tilespmem:s23+$0x15870] =	vst v2  }
0xad: {  	v4 =	vld.idx.msk [tilespmem:v0+s24+$0x4D80 ss:$0x1], $0xffff  }
0xae: {  	v3 =	vld.idx.msk [tilespmem:v0+s24+$0x4D90 ss:$0x1], $0xffff  }
0xaf: {  	v5 =	vld.idx.msk [tilespmem:v0+s24+$0x4DA0 ss:$0x1], $0xffff  }
0xb0: {  	v6 =	vld.idx.msk [tilespmem:v0+s24+$0x4DB0 ss:$0x1], $0xffff  }
0xb1: {  	v2 =	vld.idx.msk [tilespmem:v0+s24+$0x4DC0 ss:$0x1], $0xffff  }
0xb2: {  	v1 =	vld.idx.msk [tilespmem:v0+s24+$0x4DD0 ss:$0x1], $0xffff  }
0xb3: {  	v20 =	vld.idx.msk [tilespmem:v0+s24+$0x4D00 ss:$0x1], $0xffff  }
0xb4: {  	v21 =	vld.idx.msk [tilespmem:v0+s24+$0x4D10 ss:$0x1], $0xffff  }
0xb5: {  	v18 =	vld.idx.msk [tilespmem:v0+s24+$0x4D20 ss:$0x1], $0xffff  }
0xb6: {  	v19 =	vld.idx.msk [tilespmem:v0+s24+$0x4D30 ss:$0x1], $0xffff  }
0xb7: {  	v13 =	vimm.f32 $0.0e+00;
	v14 =	vimm.f32 $0.0e+00;
	v15 =	vld.idx.msk [tilespmem:v0+s24+$0x4D40 ss:$0x1], $0xffff  }
0xb8: {  	v11 =	vimm.f32 $0.0e+00;
	v8 =	vimm.f32 $0.0e+00;
	v10 =	vimm.f32 $0.0e+00;
	v16 =	vld.idx.msk [tilespmem:v0+s24+$0x4D50 ss:$0x1], $0xffff  }
0xb9: {  	s25 =	simm.s32 $0x400;
	v9 =	vimm.f32 $0.0e+00;
	v7 =	vimm.f32 $0.0e+00;
	v12 =	vimm.f32 $0.0e+00;
	v17 =	vld.idx.msk [tilespmem:v0+s24+$0x4D60 ss:$0x1], $0xffff  }
.LBB2_9:
0xba: {  	p0 =	sne.s32 s25, $0x6000;
	v22 =	vld.idx.msk [tilespmem:v0+s24+$0x4D70 ss:$0x1], $0xffff  }
0xbb: {  	v11 =	vadd.f32 v20, v11;
	v13 =	vadd.f32 v21, v13;
	v20 =	vld.idx.msk [tilespmem:v0+s24+$0x4DE0 ss:$0x1], $0xffff  }
0xbc: {  	v14 =	vadd.f32 v18, v14;
	v12 =	vadd.f32 v19, v12;
	v18 =	vld.idx.msk [tilespmem:v0+s24+$0x4DF0 ss:$0x1], $0xffff;
	s24 =	sshra.s32 s25, $0x2  }
0xbd: {  	v11 =	vadd.f32 v4, v11;
	v13 =	vadd.f32 v3, v13;
	v4 =	vld.idx.msk [tilespmem:v0+s24+$0x4D80 ss:$0x1], $0xffff  }
0xbe: {  	v14 =	vadd.f32 v5, v14;
	v12 =	vadd.f32 v6, v12;
	v3 =	vld.idx.msk [tilespmem:v0+s24+$0x4D90 ss:$0x1], $0xffff  }
0xbf: {  	v8 =	vadd.f32 v15, v8;
	v10 =	vadd.f32 v16, v10;
	v5 =	vld.idx.msk [tilespmem:v0+s24+$0x4DA0 ss:$0x1], $0xffff  }
0xc0: {  	v9 =	vadd.f32 v17, v9;
	v7 =	vadd.f32 v22, v7;
	v6 =	vld.idx.msk [tilespmem:v0+s24+$0x4DB0 ss:$0x1], $0xffff  }
0xc1: {  	v8 =	vadd.f32 v2, v8;
	v10 =	vadd.f32 v1, v10;
	v2 =	vld.idx.msk [tilespmem:v0+s24+$0x4DC0 ss:$0x1], $0xffff  }
0xc2: {  	v9 =	vadd.f32 v20, v9;
	v7 =	vadd.f32 v18, v7;
	v1 =	vld.idx.msk [tilespmem:v0+s24+$0x4DD0 ss:$0x1], $0xffff  }
0xc3: {  	v20 =	vld.idx.msk [tilespmem:v0+s24+$0x4D00 ss:$0x1], $0xffff  }
0xc4: {  	v21 =	vld.idx.msk [tilespmem:v0+s24+$0x4D10 ss:$0x1], $0xffff  }
.Ltmp3:
0xc5: {  	v18 =	vld.idx.msk [tilespmem:v0+s24+$0x4D20 ss:$0x1], $0xffff;
	(pc) =	sbr.rel @p0 .LBB2_9-.Ltmp3, $4  }
0xc6: {  	v19 =	vld.idx.msk [tilespmem:v0+s24+$0x4D30 ss:$0x1], $0xffff  }
0xc7: {  	v15 =	vld.idx.msk [tilespmem:v0+s24+$0x4D40 ss:$0x1], $0xffff  }
0xc8: {  	v16 =	vld.idx.msk [tilespmem:v0+s24+$0x4D50 ss:$0x1], $0xffff  }
0xc9: {  	s25 =	sadd.s32 $0x400, s25;
	v17 =	vld.idx.msk [tilespmem:v0+s24+$0x4D60 ss:$0x1], $0xffff  }
0xca: {  	_ =	sdelay $0x1  }
0xcb: {  	v11 =	vadd.f32 v20, v11  }
0xcc: {  	v13 =	vadd.f32 v21, v13  }
0xcd: {  	v56 =	vld.idx.msk [tilespmem:v0+s24+$0x4D70 ss:$0x1], $0xffff;
	v14 =	vadd.f32 v18, v14;
	v4 =	vadd.f32 v4, v11  }
0xce: {  	v57 =	vld.idx.msk [tilespmem:v0+s24+$0x4DE0 ss:$0x1], $0xffff;
	v58 =	vadd.f32 v19, v12;
	v3 =	vadd.f32 v3, v13  }
0xcf: {  	v59 =	vld.idx.msk [tilespmem:v0+s24+$0x4DF0 ss:$0x1], $0xffff;
	v5 =	vadd.f32 v5, v14;
	v8 =	vadd.f32 v15, v8;
	[tilespmem:s23+$0x15880] =	vst v4  }
0xd0: {  	s22 =	sadd.s32 $0x1, s22;
	v60 =	vadd.f32 v6, v58;
	v61 =	vadd.f32 v16, v10;
	[tilespmem:s23+$0x15890] =	vst v3  }
0xd1: {  	p0 =	sne.s32 s22, $0x20;
	v62 =	vadd.f32 v17, v9;
	v2 =	vadd.f32 v2, v8;
	[tilespmem:s23+$0x158A0] =	vst v5  }
.Ltmp4:
0xd2: {  	v63 =	vadd.f32 v56, v7;
	v1 =	vadd.f32 v1, v61;
	[tilespmem:s23+$0x158B0] =	vst v60;
	(pc) =	sbr.rel @p0 .LBB2_2-.Ltmp4, $4  }
0xd3: {  	v3 =	vadd.f32 v57, v62;
	[tilespmem:s23+$0x158C0] =	vst v2  }
0xd4: {  	v0 =	vadd.f32 v59, v63;
	[tilespmem:s23+$0x158D0] =	vst v1  }
0xd5: {  	[tilespmem:s23+$0x158E0] =	vst v3  }
0xd6: {  	s20 =	sadd.s32 $0x6800, s20;
	s21 =	sadd.s32 $0x2, s21;
	[tilespmem:s23+$0x158F0] =	vst v0  }
0xd7: {  	s19 =	sadd.s32 $0x1, s19  }
0xd8: {  	p0 =	sne.s32 s19, s6  }
.Ltmp5:
0xd9: {  	_ = 	snop;
	(pc) =	sbr.rel @p0 .LBB2_1-.Ltmp5, $4  }
0xda: {  	[hbm4b:s5+s2] =	stream.linear.scatter [tilespmem:s18], [sflag:$0x2], $0x4000, $0x38;
	[tilespmem:$0x19800] =	vst v63  }
0xdb: {  	_ =	swait.ge [sflag:s7], $0x4000  }
0xdc: {  	[sflag:s7] =	ssyncset.done $0x0  }
0xdd: {  	[sflag:s7] =	ssyncadd.s32 $0xFFFFC000  }
0xde: {  	_ =	sfence.sel $0x180000  }
0xdf: {  	[bflag:$0x0] =	sbarrier.arrive $0xFFFF  }
0xe0: {  	p0 =	sne.s32 s1, $0x0;
	_ =	strace $0x90000047  }
0xe1: {  	s0 =	sadd.s32 @!p0 $0x100000, s0;
	[bflag:$0x2] =	sbarrier.arrive $0xFFFF  }
0xe2: {  	[sflag:s0] =	ssyncadd.tile.s32 @!p0 $0x1;
	_ =	shalt  }
.Lfunc_end2:
_tile_overlayer_lowered:
.L_overlay_start_2:
0xe3: {  	(tag) =	ssettag $0x2  }
0xe4: {  	s0 =	rddreg [dreg:$0x0];
	s2 =	stileid.u32  }
0xe5: {  	s1 =	rddreg [dreg:$0x1];
	p0 =	sne.s32 s2, $0x0  }
0xe6: {  	s3 =	rddreg [dreg:$0x2];
	[bflag:$0x3] =	sbarrier.arrive $0xFFFF;
	s2 =	simm.s32 @!p0 $0x1C02  }
0xe7: {  	[timem:s3], [sflag:s2] =	dma.local @!p0 [hbm:s0], s1  }
0xe8: {  	s0 =	simm.s32 @!p0 $0x2  }
0xe9: {  	_ =	swait.ge @!p0 [sflag:s0], s1  }
0xea: {  	s1 =	ssub.s32 @!p0 $0x0, s1;
	[sflag:s0] =	ssyncset.done @!p0 $0x0  }
0xeb: {  	[sflag:s0] =	ssyncadd.s32 @!p0 s1  }
0xec: {  	[bflag:$0x3] =	sbarrier.arrive $0xFFFF  }
0xed: {  	_ =	shalt  }

</sc_bundles>
